<compile_context>
chip_gen: v7x
topology: tpu7x:2x2x1
jax: 0.10.2.dev20260603
libtpu: 0.0.44.dev20260713+nightly
codegen_flags: <defaults>
</compile_context>

<pallas_src>
import numpy as np
import jax
import jax.numpy as jnp
from jax import lax
from jax.experimental import pallas as pl
from jax.experimental.pallas import tpu as pltpu
from jax.experimental.pallas import tpu_sc as plsc

D_MODEL = 128
MAX_LEN = 512
CHUNK = 128


def _positional_encoding(d_model, max_len):
    pos = np.arange(0, max_len).reshape(-1, 1) / np.power(
        10000.0, np.arange(0, d_model, 2) / d_model)
    pe = np.zeros((max_len, d_model), dtype=np.float32)
    pe[:, 0::2] = np.sin(pos)
    pe[:, 1::2] = np.cos(pos)
    return pe


def _build(B, S, V):
    NC, NS = 2, 16
    NW = NC * NS
    total = B * S
    assert total % (NW * CHUNK) == 0
    per_w = total // NW
    n_chunks = per_w // CHUNK
    assert CHUNK <= S
    pe_rows = S + CHUNK

    NBUF = 2
    n_groups = n_chunks // NBUF
    assert n_chunks % NBUF == 0

    mesh = plsc.VectorSubcoreMesh(core_axis_name="c", subcore_axis_name="s")

    @pl.kernel(
        out_type=jax.ShapeDtypeStruct((total, D_MODEL), jnp.float32),
        mesh=mesh,
        scratch_types=[
            pltpu.VMEM((1, n_chunks, CHUNK), jnp.int32),
            pltpu.VMEM((pe_rows, D_MODEL), jnp.float32),
        ] + [pltpu.VMEM((CHUNK, D_MODEL), jnp.float32)] * NBUF
          + [pltpu.SemaphoreType.DMA] * (2 * NBUF),
    )
    def k(table_hbm, idx_hbm, pe_hbm, out_hbm, idx_v, pe_v, *bufs_sems):
        bufs = bufs_sems[:NBUF]
        gsems = bufs_sems[NBUF:2 * NBUF]
        wsems = bufs_sems[2 * NBUF:]
        cid = lax.axis_index("c")
        sid = lax.axis_index("s")
        wid = sid * NC + cid

        pltpu.sync_copy(idx_hbm.at[pl.ds(wid, 1)], idx_v)

        def gather_start(j, b):
            pltpu.async_copy(table_hbm.at[idx_v.at[0, j]], bufs[b], gsems[b])

        def gather_wait(b):
            pltpu.make_async_copy(
                table_hbm.at[pl.ds(0, CHUNK)], bufs[b], gsems[b]).wait()

        def write_start(j, b):
            pltpu.async_copy(
                bufs[b], out_hbm.at[pl.ds(wid * per_w + j * CHUNK, CHUNK)],
                wsems[b])

        def write_wait(b):
            pltpu.make_async_copy(
                bufs[b], out_hbm.at[pl.ds(0, CHUNK)], wsems[b]).wait()

        def pe_add(j, b):
            off = lax.rem(j * CHUNK, S)
            rows = bufs[b]

            @plsc.parallel_loop(0, CHUNK, unroll=4)
            def _row(r):
                for c in range(D_MODEL // 16):
                    s = pl.ds(c * 16, 16)
                    rows[r, s] = rows[r, s] + pe_v[off + r, s]

        for b in range(NBUF):
            gather_start(b, b)
        pltpu.sync_copy(pe_hbm, pe_v)

        @pl.loop(0, n_groups)
        def _group(kk):
            j0 = kk * NBUF
            for b in range(NBUF):
                j = j0 + b
                gather_wait(b)
                pe_add(j, b)
                write_start(j, b)

                @pl.when(kk < n_groups - 1)
                def _refill():
                    write_wait(b)
                    gather_start(j + NBUF, b)

        for b in range(NBUF):
            write_wait(b)

    return k


def kernel(X, table):
    B, S = X.shape
    V, D = table.shape
    assert D == D_MODEL
    pe_np = _positional_encoding(D_MODEL, MAX_LEN)[:S]
    pe = jnp.asarray(np.concatenate([pe_np, pe_np[:CHUNK]], axis=0))
    NW = 32
    idx3d = X.astype(jnp.int32).reshape(NW, -1, CHUNK)
    k = _build(B, S, V)
    out = k(table, idx3d, pe)
    return out.reshape(B, S, D)

# --- scband reference (transcript-rebuilt; emitter-appended) ---
"""Pipeline reference for scband-transformer-embedding-49211735277993 (READ-ONLY COPY).

The authoritative reference and input builder live on the scoring server;
editing this copy changes nothing except your own understanding.
"""

import jax, jax.numpy as jnp
import numpy as np

VOCAB = 100000
D_MODEL = 128
MAX_LEN = 512
BATCH = 1024
SEQ = 200


def make_pe(d_model, max_len):
    pos = np.arange(0, max_len).reshape(-1, 1) / np.power(10000.0, np.arange(0, d_model, 2) / d_model)
    pe = np.zeros((max_len, d_model), dtype=np.float32)
    pe[:, 0::2] = np.sin(pos)
    pe[:, 1::2] = np.cos(pos)
    return jnp.asarray(pe)


def setup_inputs(seed: int = 0) -> dict:
    key = jax.random.key(seed)
    k1, k2 = jax.random.split(key)
    X = jax.random.randint(k1, (BATCH, SEQ), 0, VOCAB, dtype=jnp.int64) if jax.config.jax_enable_x64 else jax.random.randint(k1, (BATCH, SEQ), 0, VOCAB, dtype=jnp.int32)
    table = jax.random.normal(k2, (VOCAB, D_MODEL), dtype=jnp.float32) * 0.02
    # padding_idx=1: row 1 is zero-initialized
    table = table.at[1].set(0.0)
    return {"X": X, "table": table}


def reference(X, table):
    # TokenEmbedding: plain embedding lookup (gather)
    token_embed = jnp.take(table, X, axis=0)  # [B, S, D]
    # PositionalEmbedding: deterministic buffer, no grad
    pe = make_pe(D_MODEL, MAX_LEN)[: X.shape[1], :]  # [S, D]
    # dropout p=0.0 -> identity
    return token_embed + pe[None, :, :]

if __name__ == "__main__":
    import jax
    _d = setup_inputs()
    print(jax.jit(kernel)(*tuple(_d.values())))

</pallas_src>

<mosaic_0001>
#map = affine_map<(d0, d1) -> (0, 0)>
#map1 = affine_map<(d0, d1) -> (0, 0, 0)>
module attributes {stable_mosaic.version = 14 : i64} {
  func.func @k(%arg0: i32, %arg1: i32, %arg2: memref<100000x128xf32, #tpu.memory_space<hbm>>, %arg3: memref<32x50x128xi32, #tpu.memory_space<hbm>>, %arg4: memref<328x128xf32, #tpu.memory_space<hbm>>, %arg5: memref<204800x128xf32, #tpu.memory_space<hbm>>, %arg6: memref<1x50x128xi32, #tpu.memory_space<vmem>>, %arg7: memref<328x128xf32, #tpu.memory_space<vmem>>, %arg8: memref<128x128xf32, #tpu.memory_space<vmem>>, %arg9: memref<128x128xf32, #tpu.memory_space<vmem>>, %arg10: memref<!tpu.dma_semaphore, #tpu.memory_space<semaphore_mem>>, %arg11: memref<!tpu.dma_semaphore, #tpu.memory_space<semaphore_mem>>, %arg12: memref<!tpu.dma_semaphore, #tpu.memory_space<semaphore_mem>>, %arg13: memref<!tpu.dma_semaphore, #tpu.memory_space<semaphore_mem>>) attributes {dimension_semantics = [#tpu.dimension_semantics<core_parallel>, #tpu.dimension_semantics<subcore_parallel>], iteration_bounds = array<i64: 2, 16>, scalar_prefetch = 0 : i64, scratch_operands = 8 : i64, tpu.core_type = #tpu.core_type<sc_vector_subcore>, window_params = [{transform_indices = #map}, {transform_indices = #map1}, {transform_indices = #map}, {transform_indices = #map}]} {
    %mul3A = arith.constant 2 : i32
    %mul3A_0 = arith.muli %arg1, %mul3A : i32
    %add3A = arith.addi %mul3A_0, %arg0 : i32
    "tpu.region"() ({
      %run_scoped3A = tpu.sem_alloc : memref<!tpu.dma_semaphore, #tpu.memory_space<semaphore_mem>>
      %dma_start3A_31 = arith.constant 0 : i32
      %dma_start3A_32 = arith.constant 0 : i32
      %dma_start3A_33 = tpu.memref_slice %arg3[%add3A, %dma_start3A_31, %dma_start3A_32] : memref<32x50x128xi32, #tpu.memory_space<hbm>> -> memref<1x50x128xi32, #tpu.memory_space<hbm>>
      %dma_start3A_34 = arith.constant 0 : i32
      %dma_start3A_35 = arith.constant 0 : i32
      %dma_start3A_36 = tpu.memref_slice %arg3[%add3A, %dma_start3A_34, %dma_start3A_35] : memref<32x50x128xi32, #tpu.memory_space<hbm>> -> memref<1x50x128xi32, #tpu.memory_space<hbm>>
      tpu.enqueue_dma source(%dma_start3A_36 : memref<1x50x128xi32, #tpu.memory_space<hbm>>) target(%arg6 : memref<1x50x128xi32, #tpu.memory_space<vmem>>) target_semaphore(%run_scoped3A : memref<!tpu.dma_semaphore, #tpu.memory_space<semaphore_mem>>)
      %dma_wait3A_37 = arith.constant 0 : i32
      %dma_wait3A_38 = arith.constant 0 : i32
      %dma_wait3A_39 = tpu.memref_slice %arg3[%add3A, %dma_wait3A_37, %dma_wait3A_38] : memref<32x50x128xi32, #tpu.memory_space<hbm>> -> memref<1x50x128xi32, #tpu.memory_space<hbm>>
      %dma_wait3A_40 = arith.constant 0 : i32
      %dma_wait3A_41 = arith.constant 0 : i32
      %dma_wait3A_42 = tpu.memref_slice %arg3[%add3A, %dma_wait3A_40, %dma_wait3A_41] : memref<32x50x128xi32, #tpu.memory_space<hbm>> -> memref<1x50x128xi32, #tpu.memory_space<hbm>>
      tpu.wait_dma2 semaphore(%run_scoped3A : memref<!tpu.dma_semaphore, #tpu.memory_space<semaphore_mem>>) src(%dma_wait3A_42 : memref<1x50x128xi32, #tpu.memory_space<hbm>>) dst(%arg6 : memref<1x50x128xi32, #tpu.memory_space<vmem>>)
      tpu.yield
    }) : () -> ()
    %dma_start3A = arith.constant 0 : i32
    %dma_start3A_1 = arith.constant 0 : i32
    %dma_start3A_2 = arith.constant 0 : i32
    %dma_start3A_3 = tpu.memref_slice %arg6[%dma_start3A, %dma_start3A_1, %dma_start3A_2] : memref<1x50x128xi32, #tpu.memory_space<vmem>> -> memref<1x1x128xi32, #tpu.memory_space<vmem>>
    %dma_start3A_4 = tpu.memref_squeeze %dma_start3A_3 : memref<1x1x128xi32, #tpu.memory_space<vmem>> -> memref<128xi32, #tpu.memory_space<vmem>>
    %dma_start3A_5 = arith.constant 0 : i32
    %dma_start3A_6 = arith.constant 0 : i32
    %dma_start3A_7 = tpu.memref_slice %arg2[%dma_start3A_5, %dma_start3A_6] : memref<100000x128xf32, #tpu.memory_space<hbm>> -> memref<100000x128xf32, #tpu.memory_space<hbm>>
    tpu.enqueue_indirect_dma source(%dma_start3A_7 : memref<100000x128xf32, #tpu.memory_space<hbm>>) target(%arg8 : memref<128x128xf32, #tpu.memory_space<vmem>>) offsets(%dma_start3A_4 : memref<128xi32, #tpu.memory_space<vmem>>) semaphore(%arg10 : memref<!tpu.dma_semaphore, #tpu.memory_space<semaphore_mem>>)
    %dma_start3A_8 = arith.constant 0 : i32
    %dma_start3A_9 = arith.constant 1 : i32
    %dma_start3A_10 = arith.constant 0 : i32
    %dma_start3A_11 = tpu.memref_slice %arg6[%dma_start3A_8, %dma_start3A_9, %dma_start3A_10] : memref<1x50x128xi32, #tpu.memory_space<vmem>> -> memref<1x1x128xi32, #tpu.memory_space<vmem>>
    %dma_start3A_12 = tpu.memref_squeeze %dma_start3A_11 : memref<1x1x128xi32, #tpu.memory_space<vmem>> -> memref<128xi32, #tpu.memory_space<vmem>>
    %dma_start3A_13 = arith.constant 0 : i32
    %dma_start3A_14 = arith.constant 0 : i32
    %dma_start3A_15 = tpu.memref_slice %arg2[%dma_start3A_13, %dma_start3A_14] : memref<100000x128xf32, #tpu.memory_space<hbm>> -> memref<100000x128xf32, #tpu.memory_space<hbm>>
    tpu.enqueue_indirect_dma source(%dma_start3A_15 : memref<100000x128xf32, #tpu.memory_space<hbm>>) target(%arg9 : memref<128x128xf32, #tpu.memory_space<vmem>>) offsets(%dma_start3A_12 : memref<128xi32, #tpu.memory_space<vmem>>) semaphore(%arg11 : memref<!tpu.dma_semaphore, #tpu.memory_space<semaphore_mem>>)
    "tpu.region"() ({
      %run_scoped3A = tpu.sem_alloc : memref<!tpu.dma_semaphore, #tpu.memory_space<semaphore_mem>>
      tpu.enqueue_dma source(%arg4 : memref<328x128xf32, #tpu.memory_space<hbm>>) target(%arg7 : memref<328x128xf32, #tpu.memory_space<vmem>>) target_semaphore(%run_scoped3A : memref<!tpu.dma_semaphore, #tpu.memory_space<semaphore_mem>>)
      tpu.wait_dma2 semaphore(%run_scoped3A : memref<!tpu.dma_semaphore, #tpu.memory_space<semaphore_mem>>) src(%arg4 : memref<328x128xf32, #tpu.memory_space<hbm>>) dst(%arg7 : memref<328x128xf32, #tpu.memory_space<vmem>>)
      tpu.yield
    }) : () -> ()
    %scan3A = arith.constant 0 : i32
    %scan3A_16 = arith.constant 25 : i32
    %scan3A_17 = arith.addi %scan3A, %scan3A_16 : i32
    %scan3A_18 = arith.constant 1 : i32
    scf.for %scan3A_31 = %scan3A to %scan3A_17 step %scan3A_18  : i32 {
      %mul3A_32 = arith.constant 1 : i32
      %mul3A_33 = arith.muli %scan3A_31, %mul3A_32 : i32
      %add3A_34 = arith.constant 0 : i32
      %add3A_35 = arith.addi %add3A_34, %mul3A_33 : i32
      %mul3A_36 = arith.constant 2 : i32
      %mul3A_37 = arith.muli %add3A_35, %mul3A_36 : i32
      %add3A_38 = arith.constant 0 : i32
      %add3A_39 = arith.addi %mul3A_37, %add3A_38 : i32
      %dma_wait3A_40 = arith.constant 0 : i32
      %dma_wait3A_41 = arith.constant 0 : i32
      %dma_wait3A_42 = tpu.memref_slice %arg2[%dma_wait3A_40, %dma_wait3A_41] : memref<100000x128xf32, #tpu.memory_space<hbm>> -> memref<128x128xf32, #tpu.memory_space<hbm>>
      %dma_wait3A_43 = arith.constant 0 : i32
      %dma_wait3A_44 = arith.constant 0 : i32
      %dma_wait3A_45 = tpu.memref_slice %arg2[%dma_wait3A_43, %dma_wait3A_44] : memref<100000x128xf32, #tpu.memory_space<hbm>> -> memref<128x128xf32, #tpu.memory_space<hbm>>
      tpu.wait_dma2 semaphore(%arg10 : memref<!tpu.dma_semaphore, #tpu.memory_space<semaphore_mem>>) src(%dma_wait3A_45 : memref<128x128xf32, #tpu.memory_space<hbm>>) dst(%arg8 : memref<128x128xf32, #tpu.memory_space<vmem>>)
      %mul3A_46 = arith.constant 128 : i32
      %mul3A_47 = arith.muli %add3A_39, %mul3A_46 : i32
      %rem3A = arith.constant 200 : i32
      %rem3A_48 = arith.remsi %mul3A_47, %rem3A : i32
      %parallel_loop3A = arith.constant 0 : i32
      %parallel_loop3A_49 = arith.constant 128 : i32
      %parallel_loop3A_50 = arith.constant 1 : i32
      scf.for %parallel_loop3A_91 = %parallel_loop3A to %parallel_loop3A_49 step %parallel_loop3A_50  : i32 {
        %parallel_loop3A_92 = arith.index_cast %parallel_loop3A_91 : i32 to index
        %parallel_loop3A_93 = arith.constant 0 : index
        %parallel_loop3A_94 = tpu.vector_load %arg8[%parallel_loop3A_92, %parallel_loop3A_93] {strides = array<i32>} : memref<128x128xf32, #tpu.memory_space<vmem>>, vector<1x16xf32>,
        %parallel_loop3A_95 = vector.shape_cast %parallel_loop3A_94 : vector<1x16xf32> to vector<16xf32>
        %parallel_loop3A_96 = arith.addi %rem3A_48, %parallel_loop3A_91 : i32
        %parallel_loop3A_97 = arith.index_cast %parallel_loop3A_96 : i32 to index
        %parallel_loop3A_98 = arith.constant 0 : index
        %parallel_loop3A_99 = tpu.vector_load %arg7[%parallel_loop3A_97, %parallel_loop3A_98] {strides = array<i32>} : memref<328x128xf32, #tpu.memory_space<vmem>>, vector<1x16xf32>,
        %parallel_loop3A_100 = vector.shape_cast %parallel_loop3A_99 : vector<1x16xf32> to vector<16xf32>
        %parallel_loop3A_101 = arith.addf %parallel_loop3A_95, %parallel_loop3A_100 : vector<16xf32>
        %parallel_loop3A_102 = arith.index_cast %parallel_loop3A_91 : i32 to index
        %parallel_loop3A_103 = arith.constant 0 : index
        %parallel_loop3A_104 = tpu.vector_load %arg8[%parallel_loop3A_102, %parallel_loop3A_103] {strides = array<i32>} : memref<128x128xf32, #tpu.memory_space<vmem>>, vector<1x16xf32>,
        %parallel_loop3A_105 = vector.shape_cast %parallel_loop3A_104 : vector<1x16xf32> to vector<16xf32>
        %parallel_loop3A_106 = vector.shape_cast %parallel_loop3A_101 : vector<16xf32> to vector<1x16xf32>
        tpu.vector_store %arg8[%parallel_loop3A_102, %parallel_loop3A_103], %parallel_loop3A_106 {strides = array<i32>} : memref<128x128xf32, #tpu.memory_space<vmem>>, vector<1x16xf32>,
        %parallel_loop3A_107 = arith.index_cast %parallel_loop3A_91 : i32 to index
        %parallel_loop3A_108 = arith.constant 16 : index
        %parallel_loop3A_109 = tpu.vector_load %arg8[%parallel_loop3A_107, %parallel_loop3A_108] {strides = array<i32>} : memref<128x128xf32, #tpu.memory_space<vmem>>, vector<1x16xf32>,
        %parallel_loop3A_110 = vector.shape_cast %parallel_loop3A_109 : vector<1x16xf32> to vector<16xf32>
        %parallel_loop3A_111 = arith.addi %rem3A_48, %parallel_loop3A_91 : i32
        %parallel_loop3A_112 = arith.index_cast %parallel_loop3A_111 : i32 to index
        %parallel_loop3A_113 = arith.constant 16 : index
        %parallel_loop3A_114 = tpu.vector_load %arg7[%parallel_loop3A_112, %parallel_loop3A_113] {strides = array<i32>} : memref<328x128xf32, #tpu.memory_space<vmem>>, vector<1x16xf32>,
        %parallel_loop3A_115 = vector.shape_cast %parallel_loop3A_114 : vector<1x16xf32> to vector<16xf32>
        %parallel_loop3A_116 = arith.addf %parallel_loop3A_110, %parallel_loop3A_115 : vector<16xf32>
        %parallel_loop3A_117 = arith.index_cast %parallel_loop3A_91 : i32 to index
        %parallel_loop3A_118 = arith.constant 16 : index
        %parallel_loop3A_119 = tpu.vector_load %arg8[%parallel_loop3A_117, %parallel_loop3A_118] {strides = array<i32>} : memref<128x128xf32, #tpu.memory_space<vmem>>, vector<1x16xf32>,
        %parallel_loop3A_120 = vector.shape_cast %parallel_loop3A_119 : vector<1x16xf32> to vector<16xf32>
        %parallel_loop3A_121 = vector.shape_cast %parallel_loop3A_116 : vector<16xf32> to vector<1x16xf32>
        tpu.vector_store %arg8[%parallel_loop3A_117, %parallel_loop3A_118], %parallel_loop3A_121 {strides = array<i32>} : memref<128x128xf32, #tpu.memory_space<vmem>>, vector<1x16xf32>,
        %parallel_loop3A_122 = arith.index_cast %parallel_loop3A_91 : i32 to index
        %parallel_loop3A_123 = arith.constant 32 : index
        %parallel_loop3A_124 = tpu.vector_load %arg8[%parallel_loop3A_122, %parallel_loop3A_123] {strides = array<i32>} : memref<128x128xf32, #tpu.memory_space<vmem>>, vector<1x16xf32>,
        %parallel_loop3A_125 = vector.shape_cast %parallel_loop3A_124 : vector<1x16xf32> to vector<16xf32>
        %parallel_loop3A_126 = arith.addi %rem3A_48, %parallel_loop3A_91 : i32
        %parallel_loop3A_127 = arith.index_cast %parallel_loop3A_126 : i32 to index
        %parallel_loop3A_128 = arith.constant 32 : index
        %parallel_loop3A_129 = tpu.vector_load %arg7[%parallel_loop3A_127, %parallel_loop3A_128] {strides = array<i32>} : memref<328x128xf32, #tpu.memory_space<vmem>>, vector<1x16xf32>,
        %parallel_loop3A_130 = vector.shape_cast %parallel_loop3A_129 : vector<1x16xf32> to vector<16xf32>
        %parallel_loop3A_131 = arith.addf %parallel_loop3A_125, %parallel_loop3A_130 : vector<16xf32>
        %parallel_loop3A_132 = arith.index_cast %parallel_loop3A_91 : i32 to index
        %parallel_loop3A_133 = arith.constant 32 : index
        %parallel_loop3A_134 = tpu.vector_load %arg8[%parallel_loop3A_132, %parallel_loop3A_133] {strides = array<i32>} : memref<128x128xf32, #tpu.memory_space<vmem>>, vector<1x16xf32>,
        %parallel_loop3A_135 = vector.shape_cast %parallel_loop3A_134 : vector<1x16xf32> to vector<16xf32>
        %parallel_loop3A_136 = vector.shape_cast %parallel_loop3A_131 : vector<16xf32> to vector<1x16xf32>
        tpu.vector_store %arg8[%parallel_loop3A_132, %parallel_loop3A_133], %parallel_loop3A_136 {strides = array<i32>} : memref<128x128xf32, #tpu.memory_space<vmem>>, vector<1x16xf32>,
        %parallel_loop3A_137 = arith.index_cast %parallel_loop3A_91 : i32 to index
        %parallel_loop3A_138 = arith.constant 48 : index
        %parallel_loop3A_139 = tpu.vector_load %arg8[%parallel_loop3A_137, %parallel_loop3A_138] {strides = array<i32>} : memref<128x128xf32, #tpu.memory_space<vmem>>, vector<1x16xf32>,
        %parallel_loop3A_140 = vector.shape_cast %parallel_loop3A_139 : vector<1x16xf32> to vector<16xf32>
        %parallel_loop3A_141 = arith.addi %rem3A_48, %parallel_loop3A_91 : i32
        %parallel_loop3A_142 = arith.index_cast %parallel_loop3A_141 : i32 to index
        %parallel_loop3A_143 = arith.constant 48 : index
        %parallel_loop3A_144 = tpu.vector_load %arg7[%parallel_loop3A_142, %parallel_loop3A_143] {strides = array<i32>} : memref<328x128xf32, #tpu.memory_space<vmem>>, vector<1x16xf32>,
        %parallel_loop3A_145 = vector.shape_cast %parallel_loop3A_144 : vector<1x16xf32> to vector<16xf32>
        %parallel_loop3A_146 = arith.addf %parallel_loop3A_140, %parallel_loop3A_145 : vector<16xf32>
        %parallel_loop3A_147 = arith.index_cast %parallel_loop3A_91 : i32 to index
        %parallel_loop3A_148 = arith.constant 48 : index
        %parallel_loop3A_149 = tpu.vector_load %arg8[%parallel_loop3A_147, %parallel_loop3A_148] {strides = array<i32>} : memref<128x128xf32, #tpu.memory_space<vmem>>, vector<1x16xf32>,
        %parallel_loop3A_150 = vector.shape_cast %parallel_loop3A_149 : vector<1x16xf32> to vector<16xf32>
        %parallel_loop3A_151 = vector.shape_cast %parallel_loop3A_146 : vector<16xf32> to vector<1x16xf32>
        tpu.vector_store %arg8[%parallel_loop3A_147, %parallel_loop3A_148], %parallel_loop3A_151 {strides = array<i32>} : memref<128x128xf32, #tpu.memory_space<vmem>>, vector<1x16xf32>,
        %parallel_loop3A_152 = arith.index_cast %parallel_loop3A_91 : i32 to index
        %parallel_loop3A_153 = arith.constant 64 : index
        %parallel_loop3A_154 = tpu.vector_load %arg8[%parallel_loop3A_152, %parallel_loop3A_153] {strides = array<i32>} : memref<128x128xf32, #tpu.memory_space<vmem>>, vector<1x16xf32>,
        %parallel_loop3A_155 = vector.shape_cast %parallel_loop3A_154 : vector<1x16xf32> to vector<16xf32>
        %parallel_loop3A_156 = arith.addi %rem3A_48, %parallel_loop3A_91 : i32
        %parallel_loop3A_157 = arith.index_cast %parallel_loop3A_156 : i32 to index
        %parallel_loop3A_158 = arith.constant 64 : index
        %parallel_loop3A_159 = tpu.vector_load %arg7[%parallel_loop3A_157, %parallel_loop3A_158] {strides = array<i32>} : memref<328x128xf32, #tpu.memory_space<vmem>>, vector<1x16xf32>,
        %parallel_loop3A_160 = vector.shape_cast %parallel_loop3A_159 : vector<1x16xf32> to vector<16xf32>
        %parallel_loop3A_161 = arith.addf %parallel_loop3A_155, %parallel_loop3A_160 : vector<16xf32>
        %parallel_loop3A_162 = arith.index_cast %parallel_loop3A_91 : i32 to index
        %parallel_loop3A_163 = arith.constant 64 : index
        %parallel_loop3A_164 = tpu.vector_load %arg8[%parallel_loop3A_162, %parallel_loop3A_163] {strides = array<i32>} : memref<128x128xf32, #tpu.memory_space<vmem>>, vector<1x16xf32>,
        %parallel_loop3A_165 = vector.shape_cast %parallel_loop3A_164 : vector<1x16xf32> to vector<16xf32>
        %parallel_loop3A_166 = vector.shape_cast %parallel_loop3A_161 : vector<16xf32> to vector<1x16xf32>
        tpu.vector_store %arg8[%parallel_loop3A_162, %parallel_loop3A_163], %parallel_loop3A_166 {strides = array<i32>} : memref<128x128xf32, #tpu.memory_space<vmem>>, vector<1x16xf32>,
        %parallel_loop3A_167 = arith.index_cast %parallel_loop3A_91 : i32 to index
        %parallel_loop3A_168 = arith.constant 80 : index
        %parallel_loop3A_169 = tpu.vector_load %arg8[%parallel_loop3A_167, %parallel_loop3A_168] {strides = array<i32>} : memref<128x128xf32, #tpu.memory_space<vmem>>, vector<1x16xf32>,
        %parallel_loop3A_170 = vector.shape_cast %parallel_loop3A_169 : vector<1x16xf32> to vector<16xf32>
        %parallel_loop3A_171 = arith.addi %rem3A_48, %parallel_loop3A_91 : i32
        %parallel_loop3A_172 = arith.index_cast %parallel_loop3A_171 : i32 to index
        %parallel_loop3A_173 = arith.constant 80 : index
        %parallel_loop3A_174 = tpu.vector_load %arg7[%parallel_loop3A_172, %parallel_loop3A_173] {strides = array<i32>} : memref<328x128xf32, #tpu.memory_space<vmem>>, vector<1x16xf32>,
        %parallel_loop3A_175 = vector.shape_cast %parallel_loop3A_174 : vector<1x16xf32> to vector<16xf32>
        %parallel_loop3A_176 = arith.addf %parallel_loop3A_170, %parallel_loop3A_175 : vector<16xf32>
        %parallel_loop3A_177 = arith.index_cast %parallel_loop3A_91 : i32 to index
        %parallel_loop3A_178 = arith.constant 80 : index
        %parallel_loop3A_179 = tpu.vector_load %arg8[%parallel_loop3A_177, %parallel_loop3A_178] {strides = array<i32>} : memref<128x128xf32, #tpu.memory_space<vmem>>, vector<1x16xf32>,
        %parallel_loop3A_180 = vector.shape_cast %parallel_loop3A_179 : vector<1x16xf32> to vector<16xf32>
        %parallel_loop3A_181 = vector.shape_cast %parallel_loop3A_176 : vector<16xf32> to vector<1x16xf32>
        tpu.vector_store %arg8[%parallel_loop3A_177, %parallel_loop3A_178], %parallel_loop3A_181 {strides = array<i32>} : memref<128x128xf32, #tpu.memory_space<vmem>>, vector<1x16xf32>,
        %parallel_loop3A_182 = arith.index_cast %parallel_loop3A_91 : i32 to index
        %parallel_loop3A_183 = arith.constant 96 : index
        %parallel_loop3A_184 = tpu.vector_load %arg8[%parallel_loop3A_182, %parallel_loop3A_183] {strides = array<i32>} : memref<128x128xf32, #tpu.memory_space<vmem>>, vector<1x16xf32>,
        %parallel_loop3A_185 = vector.shape_cast %parallel_loop3A_184 : vector<1x16xf32> to vector<16xf32>
        %parallel_loop3A_186 = arith.addi %rem3A_48, %parallel_loop3A_91 : i32
        %parallel_loop3A_187 = arith.index_cast %parallel_loop3A_186 : i32 to index
        %parallel_loop3A_188 = arith.constant 96 : index
        %parallel_loop3A_189 = tpu.vector_load %arg7[%parallel_loop3A_187, %parallel_loop3A_188] {strides = array<i32>} : memref<328x128xf32, #tpu.memory_space<vmem>>, vector<1x16xf32>,
        %parallel_loop3A_190 = vector.shape_cast %parallel_loop3A_189 : vector<1x16xf32> to vector<16xf32>
        %parallel_loop3A_191 = arith.addf %parallel_loop3A_185, %parallel_loop3A_190 : vector<16xf32>
        %parallel_loop3A_192 = arith.index_cast %parallel_loop3A_91 : i32 to index
        %parallel_loop3A_193 = arith.constant 96 : index
        %parallel_loop3A_194 = tpu.vector_load %arg8[%parallel_loop3A_192, %parallel_loop3A_193] {strides = array<i32>} : memref<128x128xf32, #tpu.memory_space<vmem>>, vector<1x16xf32>,
        %parallel_loop3A_195 = vector.shape_cast %parallel_loop3A_194 : vector<1x16xf32> to vector<16xf32>
        %parallel_loop3A_196 = vector.shape_cast %parallel_loop3A_191 : vector<16xf32> to vector<1x16xf32>
        tpu.vector_store %arg8[%parallel_loop3A_192, %parallel_loop3A_193], %parallel_loop3A_196 {strides = array<i32>} : memref<128x128xf32, #tpu.memory_space<vmem>>, vector<1x16xf32>,
        %parallel_loop3A_197 = arith.index_cast %parallel_loop3A_91 : i32 to index
        %parallel_loop3A_198 = arith.constant 112 : index
        %parallel_loop3A_199 = tpu.vector_load %arg8[%parallel_loop3A_197, %parallel_loop3A_198] {strides = array<i32>} : memref<128x128xf32, #tpu.memory_space<vmem>>, vector<1x16xf32>,
        %parallel_loop3A_200 = vector.shape_cast %parallel_loop3A_199 : vector<1x16xf32> to vector<16xf32>
        %parallel_loop3A_201 = arith.addi %rem3A_48, %parallel_loop3A_91 : i32
        %parallel_loop3A_202 = arith.index_cast %parallel_loop3A_201 : i32 to index
        %parallel_loop3A_203 = arith.constant 112 : index
        %parallel_loop3A_204 = tpu.vector_load %arg7[%parallel_loop3A_202, %parallel_loop3A_203] {strides = array<i32>} : memref<328x128xf32, #tpu.memory_space<vmem>>, vector<1x16xf32>,
        %parallel_loop3A_205 = vector.shape_cast %parallel_loop3A_204 : vector<1x16xf32> to vector<16xf32>
        %parallel_loop3A_206 = arith.addf %parallel_loop3A_200, %parallel_loop3A_205 : vector<16xf32>
        %parallel_loop3A_207 = arith.index_cast %parallel_loop3A_91 : i32 to index
        %parallel_loop3A_208 = arith.constant 112 : index
        %parallel_loop3A_209 = tpu.vector_load %arg8[%parallel_loop3A_207, %parallel_loop3A_208] {strides = array<i32>} : memref<128x128xf32, #tpu.memory_space<vmem>>, vector<1x16xf32>,
        %parallel_loop3A_210 = vector.shape_cast %parallel_loop3A_209 : vector<1x16xf32> to vector<16xf32>
        %parallel_loop3A_211 = vector.shape_cast %parallel_loop3A_206 : vector<16xf32> to vector<1x16xf32>
        tpu.vector_store %arg8[%parallel_loop3A_207, %parallel_loop3A_208], %parallel_loop3A_211 {strides = array<i32>} : memref<128x128xf32, #tpu.memory_space<vmem>>, vector<1x16xf32>,
      } {sc.loop_unroll_factor = 4 : i64, sc.parallel_access}
      %mul3A_51 = arith.constant 6400 : i32
      %mul3A_52 = arith.muli %add3A, %mul3A_51 : i32
      %mul3A_53 = arith.constant 128 : i32
      %mul3A_54 = arith.muli %add3A_39, %mul3A_53 : i32
      %add3A_55 = arith.addi %mul3A_52, %mul3A_54 : i32
      %dma_start3A_56 = arith.constant 0 : i32
      %dma_start3A_57 = tpu.memref_slice %arg5[%add3A_55, %dma_start3A_56] : memref<204800x128xf32, #tpu.memory_space<hbm>> -> memref<128x128xf32, #tpu.memory_space<hbm>>
      %dma_start3A_58 = arith.constant 0 : i32
      %dma_start3A_59 = tpu.memref_slice %arg5[%add3A_55, %dma_start3A_58] : memref<204800x128xf32, #tpu.memory_space<hbm>> -> memref<128x128xf32, #tpu.memory_space<hbm>>
      tpu.enqueue_dma source(%arg8 : memref<128x128xf32, #tpu.memory_space<vmem>>) target(%dma_start3A_59 : memref<128x128xf32, #tpu.memory_space<hbm>>) target_semaphore(%arg12 : memref<!tpu.dma_semaphore, #tpu.memory_space<semaphore_mem>>)
      %lt3A = arith.constant 24 : i32
      %lt3A_60 = arith.cmpi slt, %add3A_35, %lt3A : i32
      %convert_element_type3A = arith.extui %lt3A_60 : i1 to i32
      %cond3A = arith.constant 0 : i32
      %cond3A_61 = arith.cmpi ne, %convert_element_type3A, %cond3A : i32
      scf.if %cond3A_61 {
        %dma_wait3A_91 = arith.constant 0 : i32
        %dma_wait3A_92 = arith.constant 0 : i32
        %dma_wait3A_93 = tpu.memref_slice %arg5[%dma_wait3A_91, %dma_wait3A_92] : memref<204800x128xf32, #tpu.memory_space<hbm>> -> memref<128x128xf32, #tpu.memory_space<hbm>>
        %dma_wait3A_94 = arith.constant 0 : i32
        %dma_wait3A_95 = arith.constant 0 : i32
        %dma_wait3A_96 = tpu.memref_slice %arg5[%dma_wait3A_94, %dma_wait3A_95] : memref<204800x128xf32, #tpu.memory_space<hbm>> -> memref<128x128xf32, #tpu.memory_space<hbm>>
        tpu.wait_dma2 semaphore(%arg12 : memref<!tpu.dma_semaphore, #tpu.memory_space<semaphore_mem>>) src(%arg8 : memref<128x128xf32, #tpu.memory_space<vmem>>) dst(%dma_wait3A_96 : memref<128x128xf32, #tpu.memory_space<hbm>>)
        %add3A_97 = arith.constant 2 : i32
        %add3A_98 = arith.addi %add3A_39, %add3A_97 : i32
        %dma_start3A_99 = arith.constant 0 : i32
        %dma_start3A_100 = arith.constant 0 : i32
        %dma_start3A_101 = tpu.memref_slice %arg6[%dma_start3A_99, %add3A_98, %dma_start3A_100] : memref<1x50x128xi32, #tpu.memory_space<vmem>> -> memref<1x1x128xi32, #tpu.memory_space<vmem>>
        %dma_start3A_102 = tpu.memref_squeeze %dma_start3A_101 : memref<1x1x128xi32, #tpu.memory_space<vmem>> -> memref<128xi32, #tpu.memory_space<vmem>>
        %dma_start3A_103 = arith.constant 0 : i32
        %dma_start3A_104 = arith.constant 0 : i32
        %dma_start3A_105 = tpu.memref_slice %arg2[%dma_start3A_103, %dma_start3A_104] : memref<100000x128xf32, #tpu.memory_space<hbm>> -> memref<100000x128xf32, #tpu.memory_space<hbm>>
        tpu.enqueue_indirect_dma source(%dma_start3A_105 : memref<100000x128xf32, #tpu.memory_space<hbm>>) target(%arg8 : memref<128x128xf32, #tpu.memory_space<vmem>>) offsets(%dma_start3A_102 : memref<128xi32, #tpu.memory_space<vmem>>) semaphore(%arg10 : memref<!tpu.dma_semaphore, #tpu.memory_space<semaphore_mem>>)
      } else {
      }
      %add3A_62 = arith.constant 1 : i32
      %add3A_63 = arith.addi %mul3A_37, %add3A_62 : i32
      %dma_wait3A_64 = arith.constant 0 : i32
      %dma_wait3A_65 = arith.constant 0 : i32
      %dma_wait3A_66 = tpu.memref_slice %arg2[%dma_wait3A_64, %dma_wait3A_65] : memref<100000x128xf32, #tpu.memory_space<hbm>> -> memref<128x128xf32, #tpu.memory_space<hbm>>
      %dma_wait3A_67 = arith.constant 0 : i32
      %dma_wait3A_68 = arith.constant 0 : i32
      %dma_wait3A_69 = tpu.memref_slice %arg2[%dma_wait3A_67, %dma_wait3A_68] : memref<100000x128xf32, #tpu.memory_space<hbm>> -> memref<128x128xf32, #tpu.memory_space<hbm>>
      tpu.wait_dma2 semaphore(%arg11 : memref<!tpu.dma_semaphore, #tpu.memory_space<semaphore_mem>>) src(%dma_wait3A_69 : memref<128x128xf32, #tpu.memory_space<hbm>>) dst(%arg9 : memref<128x128xf32, #tpu.memory_space<vmem>>)
      %mul3A_70 = arith.constant 128 : i32
      %mul3A_71 = arith.muli %add3A_63, %mul3A_70 : i32
      %rem3A_72 = arith.constant 200 : i32
      %rem3A_73 = arith.remsi %mul3A_71, %rem3A_72 : i32
      %parallel_loop3A_74 = arith.constant 0 : i32
      %parallel_loop3A_75 = arith.constant 128 : i32
      %parallel_loop3A_76 = arith.constant 1 : i32
      scf.for %parallel_loop3A_91 = %parallel_loop3A_74 to %parallel_loop3A_75 step %parallel_loop3A_76  : i32 {
        %parallel_loop3A_92 = arith.index_cast %parallel_loop3A_91 : i32 to index
        %parallel_loop3A_93 = arith.constant 0 : index
        %parallel_loop3A_94 = tpu.vector_load %arg9[%parallel_loop3A_92, %parallel_loop3A_93] {strides = array<i32>} : memref<128x128xf32, #tpu.memory_space<vmem>>, vector<1x16xf32>,
        %parallel_loop3A_95 = vector.shape_cast %parallel_loop3A_94 : vector<1x16xf32> to vector<16xf32>
        %parallel_loop3A_96 = arith.addi %rem3A_73, %parallel_loop3A_91 : i32
        %parallel_loop3A_97 = arith.index_cast %parallel_loop3A_96 : i32 to index
        %parallel_loop3A_98 = arith.constant 0 : index
        %parallel_loop3A_99 = tpu.vector_load %arg7[%parallel_loop3A_97, %parallel_loop3A_98] {strides = array<i32>} : memref<328x128xf32, #tpu.memory_space<vmem>>, vector<1x16xf32>,
        %parallel_loop3A_100 = vector.shape_cast %parallel_loop3A_99 : vector<1x16xf32> to vector<16xf32>
        %parallel_loop3A_101 = arith.addf %parallel_loop3A_95, %parallel_loop3A_100 : vector<16xf32>
        %parallel_loop3A_102 = arith.index_cast %parallel_loop3A_91 : i32 to index
        %parallel_loop3A_103 = arith.constant 0 : index
        %parallel_loop3A_104 = tpu.vector_load %arg9[%parallel_loop3A_102, %parallel_loop3A_103] {strides = array<i32>} : memref<128x128xf32, #tpu.memory_space<vmem>>, vector<1x16xf32>,
        %parallel_loop3A_105 = vector.shape_cast %parallel_loop3A_104 : vector<1x16xf32> to vector<16xf32>
        %parallel_loop3A_106 = vector.shape_cast %parallel_loop3A_101 : vector<16xf32> to vector<1x16xf32>
        tpu.vector_store %arg9[%parallel_loop3A_102, %parallel_loop3A_103], %parallel_loop3A_106 {strides = array<i32>} : memref<128x128xf32, #tpu.memory_space<vmem>>, vector<1x16xf32>,
        %parallel_loop3A_107 = arith.index_cast %parallel_loop3A_91 : i32 to index
        %parallel_loop3A_108 = arith.constant 16 : index
        %parallel_loop3A_109 = tpu.vector_load %arg9[%parallel_loop3A_107, %parallel_loop3A_108] {strides = array<i32>} : memref<128x128xf32, #tpu.memory_space<vmem>>, vector<1x16xf32>,
        %parallel_loop3A_110 = vector.shape_cast %parallel_loop3A_109 : vector<1x16xf32> to vector<16xf32>
        %parallel_loop3A_111 = arith.addi %rem3A_73, %parallel_loop3A_91 : i32
        %parallel_loop3A_112 = arith.index_cast %parallel_loop3A_111 : i32 to index
        %parallel_loop3A_113 = arith.constant 16 : index
        %parallel_loop3A_114 = tpu.vector_load %arg7[%parallel_loop3A_112, %parallel_loop3A_113] {strides = array<i32>} : memref<328x128xf32, #tpu.memory_space<vmem>>, vector<1x16xf32>,
        %parallel_loop3A_115 = vector.shape_cast %parallel_loop3A_114 : vector<1x16xf32> to vector<16xf32>
        %parallel_loop3A_116 = arith.addf %parallel_loop3A_110, %parallel_loop3A_115 : vector<16xf32>
        %parallel_loop3A_117 = arith.index_cast %parallel_loop3A_91 : i32 to index
        %parallel_loop3A_118 = arith.constant 16 : index
        %parallel_loop3A_119 = tpu.vector_load %arg9[%parallel_loop3A_117, %parallel_loop3A_118] {strides = array<i32>} : memref<128x128xf32, #tpu.memory_space<vmem>>, vector<1x16xf32>,
        %parallel_loop3A_120 = vector.shape_cast %parallel_loop3A_119 : vector<1x16xf32> to vector<16xf32>
        %parallel_loop3A_121 = vector.shape_cast %parallel_loop3A_116 : vector<16xf32> to vector<1x16xf32>
        tpu.vector_store %arg9[%parallel_loop3A_117, %parallel_loop3A_118], %parallel_loop3A_121 {strides = array<i32>} : memref<128x128xf32, #tpu.memory_space<vmem>>, vector<1x16xf32>,
        %parallel_loop3A_122 = arith.index_cast %parallel_loop3A_91 : i32 to index
        %parallel_loop3A_123 = arith.constant 32 : index
        %parallel_loop3A_124 = tpu.vector_load %arg9[%parallel_loop3A_122, %parallel_loop3A_123] {strides = array<i32>} : memref<128x128xf32, #tpu.memory_space<vmem>>, vector<1x16xf32>,
        %parallel_loop3A_125 = vector.shape_cast %parallel_loop3A_124 : vector<1x16xf32> to vector<16xf32>
        %parallel_loop3A_126 = arith.addi %rem3A_73, %parallel_loop3A_91 : i32
        %parallel_loop3A_127 = arith.index_cast %parallel_loop3A_126 : i32 to index
        %parallel_loop3A_128 = arith.constant 32 : index
        %parallel_loop3A_129 = tpu.vector_load %arg7[%parallel_loop3A_127, %parallel_loop3A_128] {strides = array<i32>} : memref<328x128xf32, #tpu.memory_space<vmem>>, vector<1x16xf32>,
        %parallel_loop3A_130 = vector.shape_cast %parallel_loop3A_129 : vector<1x16xf32> to vector<16xf32>
        %parallel_loop3A_131 = arith.addf %parallel_loop3A_125, %parallel_loop3A_130 : vector<16xf32>
        %parallel_loop3A_132 = arith.index_cast %parallel_loop3A_91 : i32 to index
        %parallel_loop3A_133 = arith.constant 32 : index
        %parallel_loop3A_134 = tpu.vector_load %arg9[%parallel_loop3A_132, %parallel_loop3A_133] {strides = array<i32>} : memref<128x128xf32, #tpu.memory_space<vmem>>, vector<1x16xf32>,
        %parallel_loop3A_135 = vector.shape_cast %parallel_loop3A_134 : vector<1x16xf32> to vector<16xf32>
        %parallel_loop3A_136 = vector.shape_cast %parallel_loop3A_131 : vector<16xf32> to vector<1x16xf32>
        tpu.vector_store %arg9[%parallel_loop3A_132, %parallel_loop3A_133], %parallel_loop3A_136 {strides = array<i32>} : memref<128x128xf32, #tpu.memory_space<vmem>>, vector<1x16xf32>,
        %parallel_loop3A_137 = arith.index_cast %parallel_loop3A_91 : i32 to index
        %parallel_loop3A_138 = arith.constant 48 : index
        %parallel_loop3A_139 = tpu.vector_load %arg9[%parallel_loop3A_137, %parallel_loop3A_138] {strides = array<i32>} : memref<128x128xf32, #tpu.memory_space<vmem>>, vector<1x16xf32>,
        %parallel_loop3A_140 = vector.shape_cast %parallel_loop3A_139 : vector<1x16xf32> to vector<16xf32>
        %parallel_loop3A_141 = arith.addi %rem3A_73, %parallel_loop3A_91 : i32
        %parallel_loop3A_142 = arith.index_cast %parallel_loop3A_141 : i32 to index
        %parallel_loop3A_143 = arith.constant 48 : index
        %parallel_loop3A_144 = tpu.vector_load %arg7[%parallel_loop3A_142, %parallel_loop3A_143] {strides = array<i32>} : memref<328x128xf32, #tpu.memory_space<vmem>>, vector<1x16xf32>,
        %parallel_loop3A_145 = vector.shape_cast %parallel_loop3A_144 : vector<1x16xf32> to vector<16xf32>
        %parallel_loop3A_146 = arith.addf %parallel_loop3A_140, %parallel_loop3A_145 : vector<16xf32>
        %parallel_loop3A_147 = arith.index_cast %parallel_loop3A_91 : i32 to index
        %parallel_loop3A_148 = arith.constant 48 : index
        %parallel_loop3A_149 = tpu.vector_load %arg9[%parallel_loop3A_147, %parallel_loop3A_148] {strides = array<i32>} : memref<128x128xf32, #tpu.memory_space<vmem>>, vector<1x16xf32>,
        %parallel_loop3A_150 = vector.shape_cast %parallel_loop3A_149 : vector<1x16xf32> to vector<16xf32>
        %parallel_loop3A_151 = vector.shape_cast %parallel_loop3A_146 : vector<16xf32> to vector<1x16xf32>
        tpu.vector_store %arg9[%parallel_loop3A_147, %parallel_loop3A_148], %parallel_loop3A_151 {strides = array<i32>} : memref<128x128xf32, #tpu.memory_space<vmem>>, vector<1x16xf32>,
        %parallel_loop3A_152 = arith.index_cast %parallel_loop3A_91 : i32 to index
        %parallel_loop3A_153 = arith.constant 64 : index
        %parallel_loop3A_154 = tpu.vector_load %arg9[%parallel_loop3A_152, %parallel_loop3A_153] {strides = array<i32>} : memref<128x128xf32, #tpu.memory_space<vmem>>, vector<1x16xf32>,
        %parallel_loop3A_155 = vector.shape_cast %parallel_loop3A_154 : vector<1x16xf32> to vector<16xf32>
        %parallel_loop3A_156 = arith.addi %rem3A_73, %parallel_loop3A_91 : i32
        %parallel_loop3A_157 = arith.index_cast %parallel_loop3A_156 : i32 to index
        %parallel_loop3A_158 = arith.constant 64 : index
        %parallel_loop3A_159 = tpu.vector_load %arg7[%parallel_loop3A_157, %parallel_loop3A_158] {strides = array<i32>} : memref<328x128xf32, #tpu.memory_space<vmem>>, vector<1x16xf32>,
        %parallel_loop3A_160 = vector.shape_cast %parallel_loop3A_159 : vector<1x16xf32> to vector<16xf32>
        %parallel_loop3A_161 = arith.addf %parallel_loop3A_155, %parallel_loop3A_160 : vector<16xf32>
        %parallel_loop3A_162 = arith.index_cast %parallel_loop3A_91 : i32 to index
        %parallel_loop3A_163 = arith.constant 64 : index
        %parallel_loop3A_164 = tpu.vector_load %arg9[%parallel_loop3A_162, %parallel_loop3A_163] {strides = array<i32>} : memref<128x128xf32, #tpu.memory_space<vmem>>, vector<1x16xf32>,
        %parallel_loop3A_165 = vector.shape_cast %parallel_loop3A_164 : vector<1x16xf32> to vector<16xf32>
        %parallel_loop3A_166 = vector.shape_cast %parallel_loop3A_161 : vector<16xf32> to vector<1x16xf32>
        tpu.vector_store %arg9[%parallel_loop3A_162, %parallel_loop3A_163], %parallel_loop3A_166 {strides = array<i32>} : memref<128x128xf32, #tpu.memory_space<vmem>>, vector<1x16xf32>,
        %parallel_loop3A_167 = arith.index_cast %parallel_loop3A_91 : i32 to index
        %parallel_loop3A_168 = arith.constant 80 : index
        %parallel_loop3A_169 = tpu.vector_load %arg9[%parallel_loop3A_167, %parallel_loop3A_168] {strides = array<i32>} : memref<128x128xf32, #tpu.memory_space<vmem>>, vector<1x16xf32>,
        %parallel_loop3A_170 = vector.shape_cast %parallel_loop3A_169 : vector<1x16xf32> to vector<16xf32>
        %parallel_loop3A_171 = arith.addi %rem3A_73, %parallel_loop3A_91 : i32
        %parallel_loop3A_172 = arith.index_cast %parallel_loop3A_171 : i32 to index
        %parallel_loop3A_173 = arith.constant 80 : index
        %parallel_loop3A_174 = tpu.vector_load %arg7[%parallel_loop3A_172, %parallel_loop3A_173] {strides = array<i32>} : memref<328x128xf32, #tpu.memory_space<vmem>>, vector<1x16xf32>,
        %parallel_loop3A_175 = vector.shape_cast %parallel_loop3A_174 : vector<1x16xf32> to vector<16xf32>
        %parallel_loop3A_176 = arith.addf %parallel_loop3A_170, %parallel_loop3A_175 : vector<16xf32>
        %parallel_loop3A_177 = arith.index_cast %parallel_loop3A_91 : i32 to index
        %parallel_loop3A_178 = arith.constant 80 : index
        %parallel_loop3A_179 = tpu.vector_load %arg9[%parallel_loop3A_177, %parallel_loop3A_178] {strides = array<i32>} : memref<128x128xf32, #tpu.memory_space<vmem>>, vector<1x16xf32>,
        %parallel_loop3A_180 = vector.shape_cast %parallel_loop3A_179 : vector<1x16xf32> to vector<16xf32>
        %parallel_loop3A_181 = vector.shape_cast %parallel_loop3A_176 : vector<16xf32> to vector<1x16xf32>
        tpu.vector_store %arg9[%parallel_loop3A_177, %parallel_loop3A_178], %parallel_loop3A_181 {strides = array<i32>} : memref<128x128xf32, #tpu.memory_space<vmem>>, vector<1x16xf32>,
        %parallel_loop3A_182 = arith.index_cast %parallel_loop3A_91 : i32 to index
        %parallel_loop3A_183 = arith.constant 96 : index
        %parallel_loop3A_184 = tpu.vector_load %arg9[%parallel_loop3A_182, %parallel_loop3A_183] {strides = array<i32>} : memref<128x128xf32, #tpu.memory_space<vmem>>, vector<1x16xf32>,
        %parallel_loop3A_185 = vector.shape_cast %parallel_loop3A_184 : vector<1x16xf32> to vector<16xf32>
        %parallel_loop3A_186 = arith.addi %rem3A_73, %parallel_loop3A_91 : i32
        %parallel_loop3A_187 = arith.index_cast %parallel_loop3A_186 : i32 to index
        %parallel_loop3A_188 = arith.constant 96 : index
        %parallel_loop3A_189 = tpu.vector_load %arg7[%parallel_loop3A_187, %parallel_loop3A_188] {strides = array<i32>} : memref<328x128xf32, #tpu.memory_space<vmem>>, vector<1x16xf32>,
        %parallel_loop3A_190 = vector.shape_cast %parallel_loop3A_189 : vector<1x16xf32> to vector<16xf32>
        %parallel_loop3A_191 = arith.addf %parallel_loop3A_185, %parallel_loop3A_190 : vector<16xf32>
        %parallel_loop3A_192 = arith.index_cast %parallel_loop3A_91 : i32 to index
        %parallel_loop3A_193 = arith.constant 96 : index
        %parallel_loop3A_194 = tpu.vector_load %arg9[%parallel_loop3A_192, %parallel_loop3A_193] {strides = array<i32>} : memref<128x128xf32, #tpu.memory_space<vmem>>, vector<1x16xf32>,
        %parallel_loop3A_195 = vector.shape_cast %parallel_loop3A_194 : vector<1x16xf32> to vector<16xf32>
        %parallel_loop3A_196 = vector.shape_cast %parallel_loop3A_191 : vector<16xf32> to vector<1x16xf32>
        tpu.vector_store %arg9[%parallel_loop3A_192, %parallel_loop3A_193], %parallel_loop3A_196 {strides = array<i32>} : memref<128x128xf32, #tpu.memory_space<vmem>>, vector<1x16xf32>,
        %parallel_loop3A_197 = arith.index_cast %parallel_loop3A_91 : i32 to index
        %parallel_loop3A_198 = arith.constant 112 : index
        %parallel_loop3A_199 = tpu.vector_load %arg9[%parallel_loop3A_197, %parallel_loop3A_198] {strides = array<i32>} : memref<128x128xf32, #tpu.memory_space<vmem>>, vector<1x16xf32>,
        %parallel_loop3A_200 = vector.shape_cast %parallel_loop3A_199 : vector<1x16xf32> to vector<16xf32>
        %parallel_loop3A_201 = arith.addi %rem3A_73, %parallel_loop3A_91 : i32
        %parallel_loop3A_202 = arith.index_cast %parallel_loop3A_201 : i32 to index
        %parallel_loop3A_203 = arith.constant 112 : index
        %parallel_loop3A_204 = tpu.vector_load %arg7[%parallel_loop3A_202, %parallel_loop3A_203] {strides = array<i32>} : memref<328x128xf32, #tpu.memory_space<vmem>>, vector<1x16xf32>,
        %parallel_loop3A_205 = vector.shape_cast %parallel_loop3A_204 : vector<1x16xf32> to vector<16xf32>
        %parallel_loop3A_206 = arith.addf %parallel_loop3A_200, %parallel_loop3A_205 : vector<16xf32>
        %parallel_loop3A_207 = arith.index_cast %parallel_loop3A_91 : i32 to index
        %parallel_loop3A_208 = arith.constant 112 : index
        %parallel_loop3A_209 = tpu.vector_load %arg9[%parallel_loop3A_207, %parallel_loop3A_208] {strides = array<i32>} : memref<128x128xf32, #tpu.memory_space<vmem>>, vector<1x16xf32>,
        %parallel_loop3A_210 = vector.shape_cast %parallel_loop3A_209 : vector<1x16xf32> to vector<16xf32>
        %parallel_loop3A_211 = vector.shape_cast %parallel_loop3A_206 : vector<16xf32> to vector<1x16xf32>
        tpu.vector_store %arg9[%parallel_loop3A_207, %parallel_loop3A_208], %parallel_loop3A_211 {strides = array<i32>} : memref<128x128xf32, #tpu.memory_space<vmem>>, vector<1x16xf32>,
      } {sc.loop_unroll_factor = 4 : i64, sc.parallel_access}
      %mul3A_77 = arith.constant 6400 : i32
      %mul3A_78 = arith.muli %add3A, %mul3A_77 : i32
      %mul3A_79 = arith.constant 128 : i32
      %mul3A_80 = arith.muli %add3A_63, %mul3A_79 : i32
      %add3A_81 = arith.addi %mul3A_78, %mul3A_80 : i32
      %dma_start3A_82 = arith.constant 0 : i32
      %dma_start3A_83 = tpu.memref_slice %arg5[%add3A_81, %dma_start3A_82] : memref<204800x128xf32, #tpu.memory_space<hbm>> -> memref<128x128xf32, #tpu.memory_space<hbm>>
      %dma_start3A_84 = arith.constant 0 : i32
      %dma_start3A_85 = tpu.memref_slice %arg5[%add3A_81, %dma_start3A_84] : memref<204800x128xf32, #tpu.memory_space<hbm>> -> memref<128x128xf32, #tpu.memory_space<hbm>>
      tpu.enqueue_dma source(%arg9 : memref<128x128xf32, #tpu.memory_space<vmem>>) target(%dma_start3A_85 : memref<128x128xf32, #tpu.memory_space<hbm>>) target_semaphore(%arg13 : memref<!tpu.dma_semaphore, #tpu.memory_space<semaphore_mem>>)
      %lt3A_86 = arith.constant 24 : i32
      %lt3A_87 = arith.cmpi slt, %add3A_35, %lt3A_86 : i32
      %convert_element_type3A_88 = arith.extui %lt3A_87 : i1 to i32
      %cond3A_89 = arith.constant 0 : i32
      %cond3A_90 = arith.cmpi ne, %convert_element_type3A_88, %cond3A_89 : i32
      scf.if %cond3A_90 {
        %dma_wait3A_91 = arith.constant 0 : i32
        %dma_wait3A_92 = arith.constant 0 : i32
        %dma_wait3A_93 = tpu.memref_slice %arg5[%dma_wait3A_91, %dma_wait3A_92] : memref<204800x128xf32, #tpu.memory_space<hbm>> -> memref<128x128xf32, #tpu.memory_space<hbm>>
        %dma_wait3A_94 = arith.constant 0 : i32
        %dma_wait3A_95 = arith.constant 0 : i32
        %dma_wait3A_96 = tpu.memref_slice %arg5[%dma_wait3A_94, %dma_wait3A_95] : memref<204800x128xf32, #tpu.memory_space<hbm>> -> memref<128x128xf32, #tpu.memory_space<hbm>>
        tpu.wait_dma2 semaphore(%arg13 : memref<!tpu.dma_semaphore, #tpu.memory_space<semaphore_mem>>) src(%arg9 : memref<128x128xf32, #tpu.memory_space<vmem>>) dst(%dma_wait3A_96 : memref<128x128xf32, #tpu.memory_space<hbm>>)
        %add3A_97 = arith.constant 2 : i32
        %add3A_98 = arith.addi %add3A_63, %add3A_97 : i32
        %dma_start3A_99 = arith.constant 0 : i32
        %dma_start3A_100 = arith.constant 0 : i32
        %dma_start3A_101 = tpu.memref_slice %arg6[%dma_start3A_99, %add3A_98, %dma_start3A_100] : memref<1x50x128xi32, #tpu.memory_space<vmem>> -> memref<1x1x128xi32, #tpu.memory_space<vmem>>
        %dma_start3A_102 = tpu.memref_squeeze %dma_start3A_101 : memref<1x1x128xi32, #tpu.memory_space<vmem>> -> memref<128xi32, #tpu.memory_space<vmem>>
        %dma_start3A_103 = arith.constant 0 : i32
        %dma_start3A_104 = arith.constant 0 : i32
        %dma_start3A_105 = tpu.memref_slice %arg2[%dma_start3A_103, %dma_start3A_104] : memref<100000x128xf32, #tpu.memory_space<hbm>> -> memref<100000x128xf32, #tpu.memory_space<hbm>>
        tpu.enqueue_indirect_dma source(%dma_start3A_105 : memref<100000x128xf32, #tpu.memory_space<hbm>>) target(%arg9 : memref<128x128xf32, #tpu.memory_space<vmem>>) offsets(%dma_start3A_102 : memref<128xi32, #tpu.memory_space<vmem>>) semaphore(%arg11 : memref<!tpu.dma_semaphore, #tpu.memory_space<semaphore_mem>>)
      } else {
      }
    }
    %scan3A_19 = arith.constant 25 : i32
    %dma_wait3A = arith.constant 0 : i32
    %dma_wait3A_20 = arith.constant 0 : i32
    %dma_wait3A_21 = tpu.memref_slice %arg5[%dma_wait3A, %dma_wait3A_20] : memref<204800x128xf32, #tpu.memory_space<hbm>> -> memref<128x128xf32, #tpu.memory_space<hbm>>
    %dma_wait3A_22 = arith.constant 0 : i32
    %dma_wait3A_23 = arith.constant 0 : i32
    %dma_wait3A_24 = tpu.memref_slice %arg5[%dma_wait3A_22, %dma_wait3A_23] : memref<204800x128xf32, #tpu.memory_space<hbm>> -> memref<128x128xf32, #tpu.memory_space<hbm>>
    tpu.wait_dma2 semaphore(%arg12 : memref<!tpu.dma_semaphore, #tpu.memory_space<semaphore_mem>>) src(%arg8 : memref<128x128xf32, #tpu.memory_space<vmem>>) dst(%dma_wait3A_24 : memref<128x128xf32, #tpu.memory_space<hbm>>)
    %dma_wait3A_25 = arith.constant 0 : i32
    %dma_wait3A_26 = arith.constant 0 : i32
    %dma_wait3A_27 = tpu.memref_slice %arg5[%dma_wait3A_25, %dma_wait3A_26] : memref<204800x128xf32, #tpu.memory_space<hbm>> -> memref<128x128xf32, #tpu.memory_space<hbm>>
    %dma_wait3A_28 = arith.constant 0 : i32
    %dma_wait3A_29 = arith.constant 0 : i32
    %dma_wait3A_30 = tpu.memref_slice %arg5[%dma_wait3A_28, %dma_wait3A_29] : memref<204800x128xf32, #tpu.memory_space<hbm>> -> memref<128x128xf32, #tpu.memory_space<hbm>>
    tpu.wait_dma2 semaphore(%arg13 : memref<!tpu.dma_semaphore, #tpu.memory_space<semaphore_mem>>) src(%arg9 : memref<128x128xf32, #tpu.memory_space<vmem>>) dst(%dma_wait3A_30 : memref<128x128xf32, #tpu.memory_space<hbm>>)
    return
  }
}

</mosaic_0001>

<sc_bundles>
// kernel: kernel.3.cloned.1.call-start
scs
__scs_entry_jumppad:
0x0: {  	(pc) =	sbr.rel $0x88, $3  }
0x1: {  	(tag) =	ssettag $0x0;
	lr =	simm.s32 $0x1  }
0x2: {  	[smem:$0x3F9F] =	sst lr;
	_ =	strace $0xD0000000  }
0x3: {  	_ = 	snop  }
0x4: {  	_ = 	snop  }
0x5: {  	_ = 	snop  }
0x6: {  	_ = 	snop  }
0x7: {  	_ = 	snop  }
__scs_overlays_trampoline_lowered:
0x8: {  	[smem:$0x3FAE] =	sst s0  }
0x9: {  	[smem:$0x3FAF] =	sst s1  }
0xa: {  	[smem:$0x3FB0] =	sst s2  }
0xb: {  	[smem:$0x3FB1] =	sst s3  }
0xc: {  	[smem:$0x3FB2] =	sst s4  }
0xd: {  	[smem:$0x3FB3] =	sst s5  }
0xe: {  	[smem:$0x3FB4] =	sst s6  }
0xf: {  	[smem:$0x3FB5] =	sst s7  }
0x10: {  	[smem:$0x3FB6] =	sst s8  }
0x11: {  	[smem:$0x3FB7] =	sst s9;
	s0 =	simm.s32 @!p0 $0x0  }
0x12: {  	s1 =	sld [smem:$0x3F9D];
	s0 =	simm.s32 @p0 $0x1  }
0x13: {  	[smem:$0x3FB8] =	sst s0;
	s0 =	simm.s32 @!p1 $0x0  }
0x14: {  	s2 =	sld [smem:$0x3F9C];
	s0 =	simm.s32 @p1 $0x1  }
0x15: {  	[smem:$0x3FB9] =	sst s0;
	s0 =	simm.s32 @!p2 $0x0  }
0x16: {  	s3 =	sld [smem:$0x3FDB];
	s0 =	simm.s32 @p2 $0x1  }
0x17: {  	s4 =	simm.s32 $0x1BF5;
	[smem:$0x3FBB] =	sst s0  }
0x18: {  	s0 =	sld [smem:$0x3F9E];
	_ =	swait.ge [sflag:s4], $0x0  }
0x19: {  	s7 =	sld [smem:$0x3F9F]  }
0x1a: {  	s8 =	sadd.s32 $0xFFFFE003, lr  }
0x1b: {  	s9 =	sadd.s32 $0xFFFFFEF7, lr;
	s5 =	simm.s32 $0xFFFFFFFF;
	p2 =	slt.u32 s8, $0xFFFFF086  }
0x1c: {  	p1 =	slt.u32 s9, $0xF7A;
	s5 =	simm.s32 @!p2 $0x0  }
0x1d: {  	s5 =	simm.s32 @p1 $0x1;
	p0 =	seq.s32 s7, s2  }
0x1e: {  	s7 =	smul.u32 @!p0 $0xF7A, s2;
	p2 =	seq.s32 @!p0 s5, $0x0  }
0x1f: {  	s9 =	smul.u32 $0xF7A, s1;
	s8 =	simm.s32 @!p0 $0x1BF5;
	p2 =	por !p2, p0  }
0x20: {  	[sflag:s8] =	ssyncset.s32 @!p0 $0xFFFFF086;
	s6 =	sadd.s32 @!p0 s3, s7;
	s7 =	simm.s32 @!p0 $0x108  }
0x21: {  	s3 =	sadd.s32 s3, s9;
	s6 =	sadd.s32 @!p0 $0x88, s6;
	s7 =	simm.s32 @p2 $0x1082  }
0x22: {  	[simem:s7], [sflag:s8] =	dma.local @!p0 [hbm:s6], $0xF7A  }
0x23: {  	s9 =	sor.u32 $0xD0000000, s2;
	s6 =	simm.s32 $0x108;
	_ =	swait.ge @!p0 [sflag:s8], $0x0  }
0x24: {  	s3 =	sadd.s32 $0x88, s3;
	s6 =	simm.s32 @!p1 $0x1082;
	[sflag:s4] =	ssyncset.s32 $0xFFFFF086  }
0x25: {  	[simem:s6], [sflag:s4] =	dma.local [hbm:s3], $0xF7A  }
0x26: {  	[smem:$0x3F9F] =	sst s1;
	(tag) =	ssettag s2;
	_ =	strace s9  }
0x27: {  	s1 =	sld [smem:$0x3FAF]  }
0x28: {  	s2 =	sld [smem:$0x3FB0]  }
0x29: {  	s4 =	sld [smem:$0x3FB2]  }
0x2a: {  	p0 =	seq.s32 s5, $0x0;
	s5 =	sld [smem:$0x3FB3]  }
0x2b: {  	s6 =	sld [smem:$0x3FB4]  }
0x2c: {  	s7 =	sld [smem:$0x3FB5]  }
0x2d: {  	s3 =	simm.s32 $0x108;
	s8 =	sld [smem:$0x3FB6]  }
0x2e: {  	s3 =	simm.s32 @!p0 $0x1082;
	s9 =	sld [smem:$0x3FB7]  }
0x2f: {  	lr =	sadd.s32 s0, s3;
	s0 =	sld [smem:$0x3FAE]  }
0x30: {  	s3 =	sld [smem:$0x3FB1]  }
0x31: {  	[smem:$0x3FBA] =	sst s10  }
0x32: {  	s10 =	sld [smem:$0x3FB8];
	_ =	sdelay $0x3  }
0x33: {  	p0 =	seq.s32 s10, $0x1;
	s10 =	sld [smem:$0x3FBA];
	_ =	sdelay $0x3  }
0x34: {  	[smem:$0x3FBA] =	sst s10  }
0x35: {  	s10 =	sld [smem:$0x3FB9];
	_ =	sdelay $0x3  }
0x36: {  	p1 =	seq.s32 s10, $0x1;
	s10 =	sld [smem:$0x3FBA];
	_ =	sdelay $0x3  }
0x37: {  	[smem:$0x3FBA] =	sst s10  }
0x38: {  	s10 =	sld [smem:$0x3FBB]  }
0x39: {  	_ = 	snop;
	(pc) =	sbr.ind lr, $3  }
0x3a: {  	_ = 	snop  }
0x3b: {  	_ = 	snop  }
0x3c: {  	p2 =	seq.s32 s10, $0x1;
	s10 =	sld [smem:$0x3FBA]  }
0x3d: {  	_ =	shalt  }
0x3e: {  	_ =	shalt  }
0x3f: {  	_ =	shalt  }
0x40: {  	_ =	shalt  }
0x41: {  	_ =	shalt  }
0x42: {  	_ =	shalt  }
0x43: {  	_ =	shalt  }
0x44: {  	_ =	shalt  }
0x45: {  	_ =	shalt  }
0x46: {  	_ =	shalt  }
0x47: {  	_ =	shalt  }
0x48: {  	_ =	shalt  }
0x49: {  	_ =	shalt  }
0x4a: {  	_ =	shalt  }
0x4b: {  	_ =	shalt  }
0x4c: {  	_ =	shalt  }
0x4d: {  	_ =	shalt  }
0x4e: {  	_ =	shalt  }
0x4f: {  	_ =	shalt  }
0x50: {  	_ =	shalt  }
0x51: {  	_ =	shalt  }
0x52: {  	_ =	shalt  }
0x53: {  	_ =	shalt  }
0x54: {  	_ =	shalt  }
0x55: {  	_ =	shalt  }
0x56: {  	_ =	shalt  }
0x57: {  	_ =	shalt  }
0x58: {  	_ =	shalt  }
0x59: {  	_ =	shalt  }
0x5a: {  	_ =	shalt  }
0x5b: {  	_ =	shalt  }
0x5c: {  	_ =	shalt  }
0x5d: {  	_ =	shalt  }
0x5e: {  	_ =	shalt  }
0x5f: {  	_ =	shalt  }
0x60: {  	_ =	shalt  }
0x61: {  	_ =	shalt  }
0x62: {  	_ =	shalt  }
0x63: {  	_ =	shalt  }
0x64: {  	_ =	shalt  }
0x65: {  	_ =	shalt  }
0x66: {  	_ =	shalt  }
0x67: {  	_ =	shalt  }
0x68: {  	_ =	shalt  }
0x69: {  	_ =	shalt  }
0x6a: {  	_ =	shalt  }
0x6b: {  	_ =	shalt  }
0x6c: {  	_ =	shalt  }
0x6d: {  	_ =	shalt  }
0x6e: {  	_ =	shalt  }
0x6f: {  	_ =	shalt  }
0x70: {  	_ =	shalt  }
0x71: {  	_ =	shalt  }
0x72: {  	_ =	shalt  }
0x73: {  	_ =	shalt  }
0x74: {  	_ =	shalt  }
0x75: {  	_ =	shalt  }
0x76: {  	_ =	shalt  }
0x77: {  	_ =	shalt  }
0x78: {  	_ =	shalt  }
0x79: {  	_ =	shalt  }
0x7a: {  	_ =	shalt  }
0x7b: {  	_ =	shalt  }
0x7c: {  	_ =	shalt  }
0x7d: {  	_ =	shalt  }
0x7e: {  	_ =	shalt  }
0x7f: {  	_ =	shalt  }
0x80: {  	_ =	shalt  }
0x81: {  	_ =	shalt  }
0x82: {  	_ =	shalt  }
0x83: {  	_ =	shalt  }
0x84: {  	_ =	shalt  }
0x85: {  	_ =	shalt  }
0x86: {  	_ =	shalt  }
0x87: {  	_ =	shalt  }
.Lfunc_end0:
.L_simem_size_0:
called_computation_lowered:
.L_overlay_start_0:
0x88: {  	s2 =	sld [smem:$0x3FD9]  }
0x89: {  	s3 =	sld [smem:$0x3FFE];
	_ =	sdelay $0x1  }
0x8a: {  	s1 =	srdreg.scid  }
0x8b: {  	s0 =	sand.u32 $0x1, s1  }
0x8c: {  	s17 =	sshll.u32 s0, $0xA;
	s2 =	sadd.s32 s3, s2  }
0x8d: {  	s2 =	sadd.s32 s2, s17  }
0x8e: {  	[smem:$0x3FC6] =	sst s2  }
0x8f: {  	_ = 	snop  }
0x90: {  	s2 =	sld [smem:$0x3FC8]  }
0x91: {  	s18 =	sld [smem:$0x3FD0];
	(tm) =	ssettm $0x1  }
0x92: {  	s4 =	sld [smem:$0x3FFB];
	_ =	sdelay $0x3  }
0x93: {  	_ =	strace s4  }
0x94: {  	s4 =	sld [smem:$0x3FFC];
	_ =	sdelay $0x3  }
0x95: {  	_ =	strace s4  }
0x96: {  	s4 =	sld [smem:$0x3FFD];
	_ =	sdelay $0x3  }
0x97: {  	_ =	strace s4  }
0x98: {  	_ =	strace $0x8FFFFFFF  }
0x99: {  	s19 =	sld [smem:$0x3FDB];
	_ =	sdelay $0x1  }
0x9a: {  	s5 =	simm.s32 $_scs_section_size  }
0x9b: {  	s6 =	simm.s32 $_size__tile_overlayer_lowered;
	s7 =	simm.s32 $_tile_overlayer_lowered  }
0x9c: {  	s22 =	simm.s32 $0x1BFF;
	s21 =	sshll.u32 s7, $0x1;
	s4 =	sadd.s32 s5, s19  }
0x9d: {  	s8 =	simm.s32 $0x0;
	s20 =	sshll.u32 s6, $0x1;
	s6 =	sadd.s32 s21, s4  }
0x9e: {  	[timem:s8], [sflag:s22] =	dma.local [hbm:s6], s20  }
0x9f: {  	_ =	swait.ge [sflag:s22], s20  }
0xa0: {  	s5 =	ssub.s32 $0x0, s20;
	[sflag:s22] =	ssyncset.done $0x0  }
0xa1: {  	[sflag:s22] =	ssyncadd.s32 s5;
	_ =	sdelay $0x1  }
0xa2: {  	s23 =	simm.s32 $0x1B8B  }
0xa3: {  	_ =	swait.ge [sflag:s23], $0x1  }
0xa4: {  	[sflag:s23] =	ssyncset.done $0x0  }
0xa5: {  	s25 =	simm.s32 $0x1B8E;
	s24 =	sld [smem:$0x3FFE];
	[sflag:s23] =	ssyncadd.s32 $0xFFFFFFFF  }
0xa6: {  	s26 =	simm.s32 $execute0_lowered;
	[smem:$0x3FD2] =	sst s25  }
0xa7: {  	s6 =	sshll.u32 s26, $0x1;
	_ =	strace $0x80000046;
	[dreg:$0x1] =	wrdreg $0xFFFFFFFF  }
0xa8: {  	s28 =	simm.s32 $_size_execute0_lowered;
	s4 =	sadd.s32 s4, s6;
	[dreg:$0x0] =	wrdreg $0x0  }
0xa9: {  	s6 =	sshll.u32 s28, $0x1;
	[dreg:$0x2] =	wrdreg s4  }
0xaa: {  	[dreg:$0x3] =	wrdreg s6  }
0xab: {  	[dreg:$0x4] =	wrdreg $0xC0  }
0xac: {  	_ =	task [dreg:s8], $0x5FFFF  }
0xad: {  	[dreg:$0x1] =	wrdreg $0xFFFFFFFF  }
0xae: {  	[dreg:$0x0] =	wrdreg $0x60  }
0xaf: {  	[dreg:$0x2] =	wrdreg s2  }
0xb0: {  	[dreg:$0x3] =	wrdreg s24  }
0xb1: {  	[dreg:$0x4] =	wrdreg s18  }
0xb2: {  	[dreg:$0x5] =	wrdreg $0x9  }
0xb3: {  	_ =	task.clear_ibuf [dreg:s8], $0x6FFFF;
	_ =	strace $0x90000046  }
0xb4: {  	s29 =	simm.s32 $0x9;
	_ =	strace $0x80000048  }
0xb5: {  	_ =	swait.ge [sflag:s29], $0x1  }
0xb6: {  	[sflag:s29] =	ssyncadd.s32 $0xFFFFFFFF  }
0xb7: {  	_ =	strace $0x90000048  }
0xb8: {  	_ =	sfence  }
0xb9: {  	s30 =	sld [smem:$0x0];
	_ =	sdelay $0x2  }
0xba: {  	s31 =	sshll.u32 s1, $0xD;
	s1 =	sshrl.u32 s1, $0x2  }
0xbb: {  	s3 =	sand.u32 $0x4000, s31;
	s1 =	sadd.s32 s1, s30  }
0xbc: {  	s0 =	sor.u32 s3, s0;
	s1 =	sshll.u32 s1, $0x11  }
0xbd: {  	s0 =	sor.u32 s1, s0  }
0xbe: {  	s0 =	sadd.s32 $0x8F2B, s0  }
0xbf: {  	[sflag:s0] =	ssyncadd.remote.s32 $0x1  }
0xc0: {  	_ =	sfence.sel $0xFFFF  }
0xc1: {  	[dreg:$0x0] =	wrdreg $0xFFFFFFFF;
	(pc) =	sbr.abs _section_cstart, $3  }
0xc2: {  	[dreg:$0x1] =	wrdreg $0xFFFFFFFF  }
0xc3: {  	_ =	task.clear_ibuf [dreg:s8], $0x2FFFF;
	_ =	strace $0x9FFFFFFF  }
0xc4: {  	(tm) =	ssettm $0x7FFFFFFF  }
0xc5: {  	_ =	shalt  }
tec
execute0_lowered:
.L_overlay_start_1:
0x0: {  	(tag) =	ssettag $0x1  }
0x1: {  	s1 =	rddreg [dreg:$0x0]  }
0x2: {  	s2 =	srdreg.scid;
	s5 =	rddreg [dreg:$0x1]  }
0x3: {  	s0 =	stileid.u32;
	s3 =	rddreg [dreg:$0x2]  }
0x4: {  	s4 =	simm.s32 $0x0;
	s10 =	simm.s32 $0xC000;
	s11 =	simm.s32 $0x10000  }
0x5: {  	s12 =	simm.s32 $0x1C00;
	s13 =	simm.s32 $0x1;
	s14 =	simm.s32 $0x2  }
0x6: {  	s15 =	simm.s32 $0x3;
	s16 =	simm.s32 $0x4;
	s17 =	simm.s32 $0x80  }
0x7: {  	s18 =	simm.s32 $0x0;
	s6 =	sand.u32 $0x1, s2;
	s31 =	sshll.u32 s0, $0x1  }
.Ltmp0:
0x8: {  	s2 =	rddreg [dreg:$0x3];
	s7 =	sor.u32 s6, s31;
	(pc) =	sbr.rel .LBB2_1-.Ltmp0, $4  }
0x9: {  	[smem:$0x7FF] =	sst s4;
	s6 =	ssub.s32 $0x2, s6;
	s8 =	smul.u32 $0x380, s7  }
0xa: {  	_ =	strace $0x80000047;
	s9 =	sshrl.u32 s6, $0x1;
	s7 =	smul.u32 $0x1900, s7  }
0xb: {  	s9 =	ssub.s32 s6, s9;
	s8 =	sadd.s32 s8, s5;
	s5 =	sadd.s32 $0x7400, s5  }
0xc: {  	s6 =	sadd.s32 $0x400, s8;
	s8 =	smax.u32 s9, $0x1;
	s9 =	simm.s32 $0x5  }
.LBB2_8:
0xd: {  	s18 =	sadd.s32 $0x1, s18  }
0xe: {  	_ =	swait.ge [sflag:s15], $0x4000;
	p0 =	sne.s32 s18, s8  }
.Ltmp1:
0xf: {  	[sflag:s15] =	ssyncset.done $0x0;
	(pc) =	sbr.rel @!p0 .LBB2_9-.Ltmp1, $4  }
0x10: {  	[sflag:s15] =	ssyncadd.s32 $0xFFFFC000  }
0x11: {  	_ =	swait.ge [sflag:s16], $0x4000  }
0x12: {  	[sflag:s16] =	ssyncset.done $0x0  }
0x13: {  	[sflag:s16] =	ssyncadd.s32 $0xFFFFC000  }
.LBB2_1:
0x14: {  	[tilespmem:s4], [sflag:$0x5] =	stream.linear.gather [hbm4b:s6+s4], $0x1900, $0x38;
	[tilespmem:$0x14000] =	vst v63  }
0x15: {  	_ =	swait.ge [sflag:s9], $0x1900  }
0x16: {  	[sflag:s9] =	ssyncset.done $0x0  }
0x17: {  	[sflag:s9] =	ssyncadd.s32 $0xFFFFE700  }
0x18: {  	[tilespmem:s10], [sflag:$0x1] =	stream.indirect.gather [hbm4b:s1+s17], $0x80, s4, s17, $0xb8;
	[tilespmem:$0x14000] =	vst v63  }
0x19: {  	_ = 	snop  }
0x1a: {  	[tilespmem:s11], [sflag:$0x2] =	stream.indirect.gather [hbm4b:s1+s17], $0x80, s17, s17, $0xb8;
	[tilespmem:$0x14000] =	vst v63  }
0x1b: {  	_ = 	snop  }
0x1c: {  	[tilespmem:s12], [sflag:$0x5] =	stream.linear.gather [hbm4b:s5+s4], $0xA400, $0x38;
	[tilespmem:$0x14000] =	vst v63  }
0x1d: {  	s19 =	simm.s32 $0x1DF0;
	_ =	swait.ge [sflag:s9], $0xA400  }
0x1e: {  	s20 =	simm.s32 $0x5DF0;
	s21 =	simm.s32 $0x80;
	[sflag:s9] =	ssyncset.done $0x0  }
0x1f: {  	s22 =	simm.s32 $0x0;
	s23 =	simm.s32 $0x0;
	[sflag:s9] =	ssyncadd.s32 $0xFFFF5C00  }
.LBB2_2:
0x20: {  	s24 =	smulhi.u32 $0x51EB851F, s22;
	_ =	sdelay $0x1  }
0x21: {  	s24 =	sshrl.u32 s24, $0x6  }
0x22: {  	_ =	swait.ge [sflag:s13], $0x4000;
	s24 =	smul.u32 $0xFFFE7000, s24  }
0x23: {  	[sflag:s13] =	ssyncset.done $0x0  }
0x24: {  	s26 =	simm.s32 $0xC100;
	[sflag:s13] =	ssyncadd.s32 $0xFFFFC000;
	s24 =	sshra.s32 s24, $0x2  }
0x25: {  	v0 =	vld [tilespmem:s26+$0x80];
	s28 =	sadd.s32 s24, s19  }
0x26: {  	v1 =	vld [tilespmem:s28+$0xFFFFFF90]  }
0x27: {  	v2 =	vld [tilespmem:s26+$0xFFFFFF80]  }
0x28: {  	v4 =	vld [tilespmem:s26+$0x0]  }
0x29: {  	v3 =	vld [tilespmem:s28+$0xFFFFFE90]  }
0x2a: {  	v6 =	vld [tilespmem:s26+$0xFFFFFF00]  }
0x2b: {  	v5 =	vld [tilespmem:s28+$0xFFFFFF10];
	v0 =	vadd.f32 v1, v0  }
0x2c: {  	v1 =	vld [tilespmem:s28+$0xFFFFFE10]  }
0x2d: {  	[tilespmem:s26+$0x80] =	vst v0;
	v0 =	vld [tilespmem:s26+$0x90]  }
0x2e: {  	v2 =	vadd.f32 v3, v2;
	v3 =	vld [tilespmem:s28+$0xFFFFFFA0]  }
0x2f: {  	v7 =	vld [tilespmem:s26+$0xFFFFFF10]  }
0x30: {  	[tilespmem:s26+$0xFFFFFF80] =	vst v2;
	v2 =	vadd.f32 v5, v4;
	v4 =	vld [tilespmem:s26+$0xFFFFFF90]  }
0x31: {  	v5 =	vld [tilespmem:s28+$0xFFFFFEA0];
	v1 =	vadd.f32 v1, v6  }
0x32: {  	[tilespmem:s26+$0x0] =	vst v2;
	v2 =	vld [tilespmem:s26+$0x10]  }
0x33: {  	v6 =	vld [tilespmem:s28+$0xFFFFFF20];
	[tilespmem:s26+$0xFFFFFF00] =	vst v1;
	v0 =	vadd.f32 v3, v0  }
0x34: {  	v1 =	vld [tilespmem:s28+$0xFFFFFE20]  }
0x35: {  	[tilespmem:s26+$0x90] =	vst v0;
	v0 =	vld [tilespmem:s26+$0xA0]  }
0x36: {  	v3 =	vadd.f32 v5, v4;
	v4 =	vld [tilespmem:s28+$0xFFFFFFB0]  }
0x37: {  	v5 =	vld [tilespmem:s26+$0xFFFFFF20]  }
0x38: {  	[tilespmem:s26+$0xFFFFFF90] =	vst v3;
	v2 =	vadd.f32 v6, v2;
	v3 =	vld [tilespmem:s26+$0xFFFFFFA0]  }
0x39: {  	v6 =	vld [tilespmem:s28+$0xFFFFFEB0];
	v1 =	vadd.f32 v1, v7  }
0x3a: {  	[tilespmem:s26+$0x10] =	vst v2;
	v2 =	vld [tilespmem:s26+$0x20]  }
0x3b: {  	v7 =	vld [tilespmem:s28+$0xFFFFFF30];
	[tilespmem:s26+$0xFFFFFF10] =	vst v1;
	v0 =	vadd.f32 v4, v0  }
0x3c: {  	v1 =	vld [tilespmem:s28+$0xFFFFFE30]  }
0x3d: {  	[tilespmem:s26+$0xA0] =	vst v0;
	v0 =	vld [tilespmem:s26+$0xB0]  }
0x3e: {  	v3 =	vadd.f32 v6, v3;
	v4 =	vld [tilespmem:s28+$0xFFFFFFC0]  }
0x3f: {  	v6 =	vld [tilespmem:s26+$0xFFFFFF30]  }
0x40: {  	[tilespmem:s26+$0xFFFFFFA0] =	vst v3;
	v2 =	vadd.f32 v7, v2;
	v3 =	vld [tilespmem:s26+$0xFFFFFFB0]  }
0x41: {  	v7 =	vld [tilespmem:s28+$0xFFFFFEC0];
	v1 =	vadd.f32 v1, v5  }
0x42: {  	[tilespmem:s26+$0x20] =	vst v2;
	v2 =	vld [tilespmem:s26+$0x30]  }
0x43: {  	v5 =	vld [tilespmem:s28+$0xFFFFFF40];
	[tilespmem:s26+$0xFFFFFF20] =	vst v1;
	v0 =	vadd.f32 v4, v0  }
0x44: {  	v1 =	vld [tilespmem:s28+$0xFFFFFE40]  }
0x45: {  	[tilespmem:s26+$0xB0] =	vst v0;
	v0 =	vld [tilespmem:s26+$0xC0]  }
0x46: {  	v3 =	vadd.f32 v7, v3;
	v4 =	vld [tilespmem:s28+$0xFFFFFFD0]  }
0x47: {  	v7 =	vld [tilespmem:s26+$0xFFFFFF40]  }
0x48: {  	[tilespmem:s26+$0xFFFFFFB0] =	vst v3;
	v2 =	vadd.f32 v5, v2;
	v3 =	vld [tilespmem:s26+$0xFFFFFFC0]  }
0x49: {  	v5 =	vld [tilespmem:s28+$0xFFFFFED0];
	v1 =	vadd.f32 v1, v6  }
0x4a: {  	[tilespmem:s26+$0x30] =	vst v2;
	v2 =	vld [tilespmem:s26+$0x40]  }
0x4b: {  	v6 =	vld [tilespmem:s28+$0xFFFFFF50];
	[tilespmem:s26+$0xFFFFFF30] =	vst v1;
	v0 =	vadd.f32 v4, v0  }
0x4c: {  	v1 =	vld [tilespmem:s28+$0xFFFFFE50]  }
0x4d: {  	[tilespmem:s26+$0xC0] =	vst v0;
	v0 =	vld [tilespmem:s26+$0xD0]  }
0x4e: {  	v3 =	vadd.f32 v5, v3;
	v4 =	vld [tilespmem:s28+$0xFFFFFFE0]  }
0x4f: {  	v5 =	vld [tilespmem:s26+$0xFFFFFF50]  }
0x50: {  	[tilespmem:s26+$0xFFFFFFC0] =	vst v3;
	v2 =	vadd.f32 v6, v2;
	v3 =	vld [tilespmem:s26+$0xFFFFFFD0]  }
0x51: {  	v6 =	vld [tilespmem:s28+$0xFFFFFEE0];
	v1 =	vadd.f32 v1, v7  }
0x52: {  	[tilespmem:s26+$0x40] =	vst v2;
	v2 =	vld [tilespmem:s26+$0x50]  }
0x53: {  	v7 =	vld [tilespmem:s28+$0xFFFFFF60];
	[tilespmem:s26+$0xFFFFFF40] =	vst v1;
	v0 =	vadd.f32 v4, v0  }
0x54: {  	v1 =	vld [tilespmem:s28+$0xFFFFFE60]  }
0x55: {  	[tilespmem:s26+$0xD0] =	vst v0;
	v0 =	vld [tilespmem:s26+$0xE0]  }
0x56: {  	v3 =	vadd.f32 v6, v3;
	v4 =	vld [tilespmem:s28+$0xFFFFFFF0]  }
0x57: {  	v6 =	vld [tilespmem:s26+$0xFFFFFF60]  }
0x58: {  	[tilespmem:s26+$0xFFFFFFD0] =	vst v3;
	v2 =	vadd.f32 v7, v2;
	v3 =	vld [tilespmem:s26+$0xFFFFFFE0]  }
0x59: {  	v7 =	vld [tilespmem:s28+$0xFFFFFEF0];
	v1 =	vadd.f32 v1, v5  }
0x5a: {  	[tilespmem:s26+$0x50] =	vst v2;
	v2 =	vld [tilespmem:s26+$0x60]  }
0x5b: {  	v5 =	vld [tilespmem:s28+$0xFFFFFF70];
	[tilespmem:s26+$0xFFFFFF50] =	vst v1;
	v0 =	vadd.f32 v4, v0  }
0x5c: {  	v4 =	vld [tilespmem:s28+$0xFFFFFE70]  }
0x5d: {  	v8 =	vld [tilespmem:s26+$0xF0];
	[tilespmem:s26+$0xE0] =	vst v0  }
0x5e: {  	s31 =	smulhi.u32 $0x51EB851F, s21;
	v1 =	vadd.f32 v7, v3;
	v7 =	vld [tilespmem:s28+$0x0]  }
0x5f: {  	v0 =	vld [tilespmem:s26+$0xFFFFFF70]  }
0x60: {  	s24 =	sshrl.u32 s31, $0x6;
	[tilespmem:s26+$0xFFFFFFE0] =	vst v1;
	v2 =	vadd.f32 v5, v2;
	v1 =	vld [tilespmem:s26+$0xFFFFFFF0]  }
0x61: {  	s24 =	smul.u32 $0xFFFE7000, s24;
	v3 =	vld [tilespmem:s28+$0xFFFFFF00];
	v4 =	vadd.f32 v4, v6  }
0x62: {  	[tilespmem:s26+$0x60] =	vst v2;
	v2 =	vld [tilespmem:s26+$0x70]  }
0x63: {  	s29 =	simm.s32 $0x0;
	s24 =	sshra.s32 s24, $0x2;
	[tilespmem:s26+$0xFFFFFF60] =	vst v4;
	v4 =	vld [tilespmem:s28+$0xFFFFFF80];
	v6 =	vadd.f32 v7, v8  }
0x64: {  	s30 =	simm.s32 $0xC300;
	s25 =	sadd.s32 s24, s20;
	s24 =	sshll.u32 s23, $0x8;
	v5 =	vld [tilespmem:s28+$0xFFFFFE80]  }
.LBB2_3:
0x65: {  	v7 =	vld [tilespmem:s30+$0x80];
	[tilespmem:s26+$0xF0] =	vst v6;
	s28 =	sadd.s32 $0x200, s28  }
0x66: {  	s29 =	sadd.s32 $0x4, s29;
	v6 =	vld [tilespmem:s28+$0xFFFFFF90];
	v1 =	vadd.f32 v3, v1  }
0x67: {  	p0 =	slt.u32 s29, $0x7C;
	v3 =	vld [tilespmem:s28+$0xFFFFFE10]  }
0x68: {  	v8 =	vld [tilespmem:s30+$0xFFFFFF80];
	[tilespmem:s26+$0xFFFFFFF0] =	vst v1;
	v1 =	vadd.f32 v4, v2  }
0x69: {  	v2 =	vld [tilespmem:s28+$0xFFFFFE90];
	v0 =	vadd.f32 v5, v0  }
0x6a: {  	v4 =	vld [tilespmem:s30+$0x0];
	[tilespmem:s26+$0x70] =	vst v1  }
0x6b: {  	v1 =	vld [tilespmem:s28+$0xFFFFFF10];
	v5 =	vadd.f32 v6, v7;
	[tilespmem:s26+$0xFFFFFF70] =	vst v0;
	s26 =	smov.u32 s30  }
0x6c: {  	v0 =	vld [tilespmem:s30+$0xFFFFFF00]  }
0x6d: {  	[tilespmem:s30+$0x80] =	vst v5;
	v5 =	vld [tilespmem:s30+$0x90]  }
0x6e: {  	v2 =	vadd.f32 v2, v8;
	v6 =	vld [tilespmem:s28+$0xFFFFFFA0]  }
0x6f: {  	v7 =	vld [tilespmem:s30+$0xFFFFFF10]  }
0x70: {  	[tilespmem:s30+$0xFFFFFF80] =	vst v2;
	v2 =	vld [tilespmem:s30+$0xFFFFFF90];
	v1 =	vadd.f32 v1, v4  }
0x71: {  	v0 =	vadd.f32 v3, v0;
	v3 =	vld [tilespmem:s28+$0xFFFFFEA0]  }
0x72: {  	[tilespmem:s30+$0x0] =	vst v1;
	v1 =	vld [tilespmem:s30+$0x10]  }
0x73: {  	[tilespmem:s30+$0xFFFFFF00] =	vst v0;
	v0 =	vld [tilespmem:s28+$0xFFFFFF20];
	v4 =	vadd.f32 v6, v5  }
0x74: {  	v5 =	vld [tilespmem:s28+$0xFFFFFE20]  }
0x75: {  	[tilespmem:s30+$0x90] =	vst v4;
	v4 =	vld [tilespmem:s30+$0xA0]  }
0x76: {  	v2 =	vadd.f32 v3, v2;
	v3 =	vld [tilespmem:s28+$0xFFFFFFB0]  }
0x77: {  	v6 =	vld [tilespmem:s30+$0xFFFFFF20]  }
0x78: {  	[tilespmem:s30+$0xFFFFFF90] =	vst v2;
	v2 =	vld [tilespmem:s30+$0xFFFFFFA0];
	v0 =	vadd.f32 v0, v1  }
0x79: {  	v1 =	vadd.f32 v5, v7;
	v5 =	vld [tilespmem:s28+$0xFFFFFEB0]  }
0x7a: {  	[tilespmem:s30+$0x10] =	vst v0;
	v0 =	vld [tilespmem:s30+$0x20]  }
0x7b: {  	[tilespmem:s30+$0xFFFFFF10] =	vst v1;
	v1 =	vld [tilespmem:s28+$0xFFFFFF30];
	v3 =	vadd.f32 v3, v4  }
0x7c: {  	v4 =	vld [tilespmem:s28+$0xFFFFFE30]  }
0x7d: {  	[tilespmem:s30+$0xA0] =	vst v3;
	v3 =	vld [tilespmem:s30+$0xB0]  }
0x7e: {  	v2 =	vadd.f32 v5, v2;
	v5 =	vld [tilespmem:s28+$0xFFFFFFC0]  }
0x7f: {  	v7 =	vld [tilespmem:s30+$0xFFFFFF30]  }
0x80: {  	[tilespmem:s30+$0xFFFFFFA0] =	vst v2;
	v2 =	vld [tilespmem:s30+$0xFFFFFFB0];
	v0 =	vadd.f32 v1, v0  }
0x81: {  	v1 =	vadd.f32 v4, v6;
	v4 =	vld [tilespmem:s28+$0xFFFFFEC0]  }
0x82: {  	[tilespmem:s30+$0x20] =	vst v0;
	v0 =	vld [tilespmem:s30+$0x30]  }
0x83: {  	[tilespmem:s30+$0xFFFFFF20] =	vst v1;
	v1 =	vld [tilespmem:s28+$0xFFFFFF40];
	v3 =	vadd.f32 v5, v3  }
0x84: {  	v5 =	vld [tilespmem:s28+$0xFFFFFE40]  }
0x85: {  	[tilespmem:s30+$0xB0] =	vst v3;
	v3 =	vld [tilespmem:s30+$0xC0]  }
0x86: {  	v2 =	vadd.f32 v4, v2;
	v4 =	vld [tilespmem:s28+$0xFFFFFFD0]  }
0x87: {  	v6 =	vld [tilespmem:s30+$0xFFFFFF40]  }
0x88: {  	[tilespmem:s30+$0xFFFFFFB0] =	vst v2;
	v2 =	vld [tilespmem:s30+$0xFFFFFFC0];
	v0 =	vadd.f32 v1, v0  }
0x89: {  	v1 =	vadd.f32 v5, v7;
	v5 =	vld [tilespmem:s28+$0xFFFFFED0]  }
0x8a: {  	[tilespmem:s30+$0x30] =	vst v0;
	v0 =	vld [tilespmem:s30+$0x40]  }
0x8b: {  	[tilespmem:s30+$0xFFFFFF30] =	vst v1;
	v1 =	vld [tilespmem:s28+$0xFFFFFF50];
	v3 =	vadd.f32 v4, v3  }
0x8c: {  	v4 =	vld [tilespmem:s28+$0xFFFFFE50]  }
0x8d: {  	[tilespmem:s30+$0xC0] =	vst v3;
	v3 =	vld [tilespmem:s30+$0xD0]  }
0x8e: {  	v2 =	vadd.f32 v5, v2;
	v5 =	vld [tilespmem:s28+$0xFFFFFFE0]  }
0x8f: {  	v7 =	vld [tilespmem:s30+$0xFFFFFF50]  }
0x90: {  	[tilespmem:s30+$0xFFFFFFC0] =	vst v2;
	v2 =	vld [tilespmem:s30+$0xFFFFFFD0];
	v0 =	vadd.f32 v1, v0  }
0x91: {  	v1 =	vadd.f32 v4, v6;
	v4 =	vld [tilespmem:s28+$0xFFFFFEE0]  }
0x92: {  	[tilespmem:s30+$0x40] =	vst v0;
	v0 =	vld [tilespmem:s30+$0x50]  }
0x93: {  	[tilespmem:s30+$0xFFFFFF40] =	vst v1;
	v1 =	vld [tilespmem:s28+$0xFFFFFF60];
	v3 =	vadd.f32 v5, v3  }
0x94: {  	v5 =	vld [tilespmem:s28+$0xFFFFFE60]  }
0x95: {  	[tilespmem:s30+$0xD0] =	vst v3;
	v3 =	vld [tilespmem:s30+$0xE0]  }
0x96: {  	v2 =	vadd.f32 v4, v2;
	v4 =	vld [tilespmem:s28+$0xFFFFFFF0]  }
0x97: {  	v6 =	vld [tilespmem:s30+$0xFFFFFF60]  }
0x98: {  	[tilespmem:s30+$0xFFFFFFD0] =	vst v2;
	v2 =	vld [tilespmem:s30+$0xFFFFFFE0];
	v0 =	vadd.f32 v1, v0  }
0x99: {  	v1 =	vadd.f32 v5, v7;
	v5 =	vld [tilespmem:s28+$0xFFFFFEF0]  }
0x9a: {  	[tilespmem:s30+$0x50] =	vst v0;
	v7 =	vld [tilespmem:s30+$0x60]  }
0x9b: {  	[tilespmem:s30+$0xFFFFFF50] =	vst v1;
	v8 =	vld [tilespmem:s28+$0xFFFFFF70];
	v0 =	vadd.f32 v4, v3  }
0x9c: {  	v3 =	vld [tilespmem:s28+$0xFFFFFE70]  }
0x9d: {  	[tilespmem:s30+$0xE0] =	vst v0;
	v9 =	vld [tilespmem:s30+$0xF0]  }
0x9e: {  	v1 =	vadd.f32 v5, v2;
	v5 =	vld [tilespmem:s28+$0x0]  }
0x9f: {  	v0 =	vld [tilespmem:s30+$0xFFFFFF70]  }
.Ltmp2:
0xa0: {  	[tilespmem:s30+$0xFFFFFFE0] =	vst v1;
	v1 =	vld [tilespmem:s30+$0xFFFFFFF0];
	v2 =	vadd.f32 v8, v7;
	(pc) =	sbr.rel @p0 .LBB2_3-.Ltmp2, $4  }
0xa1: {  	v4 =	vadd.f32 v3, v6;
	v3 =	vld [tilespmem:s28+$0xFFFFFF00]  }
0xa2: {  	[tilespmem:s30+$0x60] =	vst v2;
	v2 =	vld [tilespmem:s30+$0x70]  }
0xa3: {  	[tilespmem:s30+$0xFFFFFF60] =	vst v4;
	v4 =	vld [tilespmem:s28+$0xFFFFFF80];
	v6 =	vadd.f32 v5, v9  }
0xa4: {  	s30 =	sadd.s32 $0x200, s30;
	v5 =	vld [tilespmem:s28+$0xFFFFFE80]  }
0xa5: {  	_ =	sdelay $0x1  }
0xa6: {  	v1 =	vadd.f32 v3, v1  }
0xa7: {  	[tilespmem:s26+$0xF0] =	vst v6;
	v2 =	vadd.f32 v4, v2  }
0xa8: {  	s28 =	sadd.s32 s7, s24;
	[tilespmem:s26+$0xFFFFFFF0] =	vst v1;
	v0 =	vadd.f32 v5, v0  }
0xa9: {  	p0 =	seq.s32 s23, $0x18;
	s28 =	sshll.u32 s28, $0x4;
	[tilespmem:s26+$0x70] =	vst v2  }
0xaa: {  	s31 =	sadd.s32 s3, s28;
	[tilespmem:s26+$0xFFFFFF70] =	vst v0;
	s26 =	simm.s32 @!p0 $0x3  }
0xab: {  	[hbm4b:s31+s4] =	stream.linear.scatter [tilespmem:s10], [sflag:$0x3], $0x4000, $0x38;
	[tilespmem:$0x14000] =	vst v63  }
0xac: {  	_ =	swait.ge @!p0 [sflag:s26], $0x4000  }
0xad: {  	s28 =	sshll.u32 @!p0 s23, $0x8;
	[sflag:s26] =	ssyncset.done @!p0 $0x0  }
0xae: {  	[sflag:s26] =	ssyncadd.s32 @!p0 $0xFFFFC000;
	s26 =	sand.u32 @!p0 $0x3FFFFF00, s28  }
0xaf: {  	s29 =	simm.s32 @!p0 $0xC000;
	s28 =	simm.s32 @!p0 $0x80;
	s26 =	sadd.s32 @!p0 $0x100, s26  }
0xb0: {  	[tilespmem:s29], [sflag:$0x1] =	stream.indirect.gather @!p0 [hbm4b:s1+s28], $0x80, s26, s28, $0xb8;
	[tilespmem:$0x14000] =	vst v63  }
0xb1: {  	_ =	swait.ge [sflag:s14], $0x4000  }
0xb2: {  	[sflag:s14] =	ssyncset.done $0x0  }
0xb3: {  	s26 =	simm.s32 $0x10100;
	[sflag:s14] =	ssyncadd.s32 $0xFFFFC000  }
0xb4: {  	v0 =	vld [tilespmem:s26+$0x80]  }
0xb5: {  	v1 =	vld [tilespmem:s25+$0xFFFFFF90]  }
0xb6: {  	v2 =	vld [tilespmem:s26+$0xFFFFFF80]  }
0xb7: {  	v3 =	vld [tilespmem:s25+$0xFFFFFE90]  }
0xb8: {  	v4 =	vld [tilespmem:s26+$0x0]  }
0xb9: {  	v5 =	vld [tilespmem:s25+$0xFFFFFF10]  }
0xba: {  	v6 =	vld [tilespmem:s26+$0xFFFFFF00];
	v0 =	vadd.f32 v1, v0  }
0xbb: {  	v1 =	vld [tilespmem:s25+$0xFFFFFE10]  }
0xbc: {  	[tilespmem:s26+$0x80] =	vst v0;
	v0 =	vld [tilespmem:s26+$0x90]  }
0xbd: {  	v2 =	vadd.f32 v3, v2;
	v3 =	vld [tilespmem:s25+$0xFFFFFFA0]  }
0xbe: {  	v7 =	vld [tilespmem:s26+$0xFFFFFF10]  }
0xbf: {  	[tilespmem:s26+$0xFFFFFF80] =	vst v2;
	v2 =	vadd.f32 v5, v4;
	v4 =	vld [tilespmem:s26+$0xFFFFFF90]  }
0xc0: {  	v5 =	vld [tilespmem:s25+$0xFFFFFEA0];
	v1 =	vadd.f32 v1, v6  }
0xc1: {  	[tilespmem:s26+$0x0] =	vst v2;
	v2 =	vld [tilespmem:s26+$0x10]  }
0xc2: {  	v6 =	vld [tilespmem:s25+$0xFFFFFF20];
	[tilespmem:s26+$0xFFFFFF00] =	vst v1;
	v0 =	vadd.f32 v3, v0  }
0xc3: {  	v1 =	vld [tilespmem:s25+$0xFFFFFE20]  }
0xc4: {  	[tilespmem:s26+$0x90] =	vst v0;
	v0 =	vld [tilespmem:s26+$0xA0]  }
0xc5: {  	v3 =	vadd.f32 v5, v4;
	v4 =	vld [tilespmem:s25+$0xFFFFFFB0]  }
0xc6: {  	v5 =	vld [tilespmem:s26+$0xFFFFFF20]  }
0xc7: {  	[tilespmem:s26+$0xFFFFFF90] =	vst v3;
	v2 =	vadd.f32 v6, v2;
	v3 =	vld [tilespmem:s26+$0xFFFFFFA0]  }
0xc8: {  	v6 =	vld [tilespmem:s25+$0xFFFFFEB0];
	v1 =	vadd.f32 v1, v7  }
0xc9: {  	[tilespmem:s26+$0x10] =	vst v2;
	v2 =	vld [tilespmem:s26+$0x20]  }
0xca: {  	v7 =	vld [tilespmem:s25+$0xFFFFFF30];
	[tilespmem:s26+$0xFFFFFF10] =	vst v1;
	v0 =	vadd.f32 v4, v0  }
0xcb: {  	v1 =	vld [tilespmem:s25+$0xFFFFFE30]  }
0xcc: {  	[tilespmem:s26+$0xA0] =	vst v0;
	v0 =	vld [tilespmem:s26+$0xB0]  }
0xcd: {  	v3 =	vadd.f32 v6, v3;
	v4 =	vld [tilespmem:s25+$0xFFFFFFC0]  }
0xce: {  	v6 =	vld [tilespmem:s26+$0xFFFFFF30]  }
0xcf: {  	[tilespmem:s26+$0xFFFFFFA0] =	vst v3;
	v2 =	vadd.f32 v7, v2;
	v3 =	vld [tilespmem:s26+$0xFFFFFFB0]  }
0xd0: {  	v7 =	vld [tilespmem:s25+$0xFFFFFEC0];
	v1 =	vadd.f32 v1, v5  }
0xd1: {  	[tilespmem:s26+$0x20] =	vst v2;
	v2 =	vld [tilespmem:s26+$0x30]  }
0xd2: {  	v5 =	vld [tilespmem:s25+$0xFFFFFF40];
	[tilespmem:s26+$0xFFFFFF20] =	vst v1;
	v0 =	vadd.f32 v4, v0  }
0xd3: {  	v1 =	vld [tilespmem:s25+$0xFFFFFE40]  }
0xd4: {  	[tilespmem:s26+$0xB0] =	vst v0;
	v0 =	vld [tilespmem:s26+$0xC0]  }
0xd5: {  	v3 =	vadd.f32 v7, v3;
	v4 =	vld [tilespmem:s25+$0xFFFFFFD0]  }
0xd6: {  	v7 =	vld [tilespmem:s26+$0xFFFFFF40]  }
0xd7: {  	[tilespmem:s26+$0xFFFFFFB0] =	vst v3;
	v2 =	vadd.f32 v5, v2;
	v3 =	vld [tilespmem:s26+$0xFFFFFFC0]  }
0xd8: {  	v5 =	vld [tilespmem:s25+$0xFFFFFED0];
	v1 =	vadd.f32 v1, v6  }
0xd9: {  	[tilespmem:s26+$0x30] =	vst v2;
	v2 =	vld [tilespmem:s26+$0x40]  }
0xda: {  	v6 =	vld [tilespmem:s25+$0xFFFFFF50];
	[tilespmem:s26+$0xFFFFFF30] =	vst v1;
	v0 =	vadd.f32 v4, v0  }
0xdb: {  	v1 =	vld [tilespmem:s25+$0xFFFFFE50]  }
0xdc: {  	[tilespmem:s26+$0xC0] =	vst v0;
	v0 =	vld [tilespmem:s26+$0xD0]  }
0xdd: {  	v3 =	vadd.f32 v5, v3;
	v4 =	vld [tilespmem:s25+$0xFFFFFFE0]  }
0xde: {  	v5 =	vld [tilespmem:s26+$0xFFFFFF50]  }
0xdf: {  	[tilespmem:s26+$0xFFFFFFC0] =	vst v3;
	v2 =	vadd.f32 v6, v2;
	v3 =	vld [tilespmem:s26+$0xFFFFFFD0]  }
0xe0: {  	v6 =	vld [tilespmem:s25+$0xFFFFFEE0];
	v1 =	vadd.f32 v1, v7  }
0xe1: {  	[tilespmem:s26+$0x40] =	vst v2;
	v2 =	vld [tilespmem:s26+$0x50]  }
0xe2: {  	v7 =	vld [tilespmem:s25+$0xFFFFFF60];
	[tilespmem:s26+$0xFFFFFF40] =	vst v1;
	v0 =	vadd.f32 v4, v0  }
0xe3: {  	v1 =	vld [tilespmem:s25+$0xFFFFFE60]  }
0xe4: {  	[tilespmem:s26+$0xD0] =	vst v0;
	v0 =	vld [tilespmem:s26+$0xE0]  }
0xe5: {  	v3 =	vadd.f32 v6, v3;
	v4 =	vld [tilespmem:s25+$0xFFFFFFF0]  }
0xe6: {  	v6 =	vld [tilespmem:s26+$0xFFFFFF60]  }
0xe7: {  	[tilespmem:s26+$0xFFFFFFD0] =	vst v3;
	v2 =	vadd.f32 v7, v2;
	v3 =	vld [tilespmem:s26+$0xFFFFFFE0]  }
0xe8: {  	v7 =	vld [tilespmem:s25+$0xFFFFFEF0];
	v1 =	vadd.f32 v1, v5  }
0xe9: {  	[tilespmem:s26+$0x50] =	vst v2;
	v2 =	vld [tilespmem:s26+$0x60]  }
0xea: {  	v5 =	vld [tilespmem:s25+$0xFFFFFF70];
	[tilespmem:s26+$0xFFFFFF50] =	vst v1;
	v0 =	vadd.f32 v4, v0  }
0xeb: {  	v4 =	vld [tilespmem:s25+$0xFFFFFE70]  }
0xec: {  	v8 =	vld [tilespmem:s26+$0xF0];
	[tilespmem:s26+$0xE0] =	vst v0  }
0xed: {  	v1 =	vadd.f32 v7, v3;
	v7 =	vld [tilespmem:s25+$0x0]  }
0xee: {  	v0 =	vld [tilespmem:s26+$0xFFFFFF70]  }
0xef: {  	[tilespmem:s26+$0xFFFFFFE0] =	vst v1;
	v2 =	vadd.f32 v5, v2;
	v1 =	vld [tilespmem:s26+$0xFFFFFFF0]  }
0xf0: {  	v3 =	vld [tilespmem:s25+$0xFFFFFF00];
	v4 =	vadd.f32 v4, v6  }
0xf1: {  	[tilespmem:s26+$0x60] =	vst v2;
	v2 =	vld [tilespmem:s26+$0x70]  }
0xf2: {  	[tilespmem:s26+$0xFFFFFF60] =	vst v4;
	v4 =	vld [tilespmem:s25+$0xFFFFFF80];
	v6 =	vadd.f32 v7, v8  }
0xf3: {  	s30 =	simm.s32 $0x10300;
	s28 =	sor.u32 $0x80, s24;
	s29 =	simm.s32 $0x0;
	v5 =	vld [tilespmem:s25+$0xFFFFFE80]  }
.LBB2_5:
0xf4: {  	v7 =	vld [tilespmem:s30+$0x80];
	[tilespmem:s26+$0xF0] =	vst v6;
	s25 =	sadd.s32 $0x200, s25  }
0xf5: {  	s29 =	sadd.s32 $0x4, s29;
	v6 =	vld [tilespmem:s25+$0xFFFFFF90];
	v1 =	vadd.f32 v3, v1  }
0xf6: {  	p1 =	slt.u32 s29, $0x7C;
	v3 =	vld [tilespmem:s25+$0xFFFFFE10]  }
0xf7: {  	v8 =	vld [tilespmem:s30+$0xFFFFFF80];
	[tilespmem:s26+$0xFFFFFFF0] =	vst v1;
	v1 =	vadd.f32 v4, v2  }
0xf8: {  	v2 =	vld [tilespmem:s25+$0xFFFFFE90];
	v0 =	vadd.f32 v5, v0  }
0xf9: {  	v4 =	vld [tilespmem:s30+$0x0];
	[tilespmem:s26+$0x70] =	vst v1  }
0xfa: {  	v1 =	vld [tilespmem:s25+$0xFFFFFF10];
	v5 =	vadd.f32 v6, v7;
	[tilespmem:s26+$0xFFFFFF70] =	vst v0;
	s26 =	smov.u32 s30  }
0xfb: {  	v0 =	vld [tilespmem:s30+$0xFFFFFF00]  }
0xfc: {  	[tilespmem:s30+$0x80] =	vst v5;
	v5 =	vld [tilespmem:s30+$0x90]  }
0xfd: {  	v2 =	vadd.f32 v2, v8;
	v6 =	vld [tilespmem:s25+$0xFFFFFFA0]  }
0xfe: {  	v7 =	vld [tilespmem:s30+$0xFFFFFF10]  }
0xff: {  	[tilespmem:s30+$0xFFFFFF80] =	vst v2;
	v2 =	vld [tilespmem:s30+$0xFFFFFF90];
	v1 =	vadd.f32 v1, v4  }
0x100: {  	v0 =	vadd.f32 v3, v0;
	v3 =	vld [tilespmem:s25+$0xFFFFFEA0]  }
0x101: {  	[tilespmem:s30+$0x0] =	vst v1;
	v1 =	vld [tilespmem:s30+$0x10]  }
0x102: {  	[tilespmem:s30+$0xFFFFFF00] =	vst v0;
	v0 =	vld [tilespmem:s25+$0xFFFFFF20];
	v4 =	vadd.f32 v6, v5  }
0x103: {  	v5 =	vld [tilespmem:s25+$0xFFFFFE20]  }
0x104: {  	[tilespmem:s30+$0x90] =	vst v4;
	v4 =	vld [tilespmem:s30+$0xA0]  }
0x105: {  	v2 =	vadd.f32 v3, v2;
	v3 =	vld [tilespmem:s25+$0xFFFFFFB0]  }
0x106: {  	v6 =	vld [tilespmem:s30+$0xFFFFFF20]  }
0x107: {  	[tilespmem:s30+$0xFFFFFF90] =	vst v2;
	v2 =	vld [tilespmem:s30+$0xFFFFFFA0];
	v0 =	vadd.f32 v0, v1  }
0x108: {  	v1 =	vadd.f32 v5, v7;
	v5 =	vld [tilespmem:s25+$0xFFFFFEB0]  }
0x109: {  	[tilespmem:s30+$0x10] =	vst v0;
	v0 =	vld [tilespmem:s30+$0x20]  }
0x10a: {  	[tilespmem:s30+$0xFFFFFF10] =	vst v1;
	v1 =	vld [tilespmem:s25+$0xFFFFFF30];
	v3 =	vadd.f32 v3, v4  }
0x10b: {  	v4 =	vld [tilespmem:s25+$0xFFFFFE30]  }
0x10c: {  	[tilespmem:s30+$0xA0] =	vst v3;
	v3 =	vld [tilespmem:s30+$0xB0]  }
0x10d: {  	v2 =	vadd.f32 v5, v2;
	v5 =	vld [tilespmem:s25+$0xFFFFFFC0]  }
0x10e: {  	v7 =	vld [tilespmem:s30+$0xFFFFFF30]  }
0x10f: {  	[tilespmem:s30+$0xFFFFFFA0] =	vst v2;
	v2 =	vld [tilespmem:s30+$0xFFFFFFB0];
	v0 =	vadd.f32 v1, v0  }
0x110: {  	v1 =	vadd.f32 v4, v6;
	v4 =	vld [tilespmem:s25+$0xFFFFFEC0]  }
0x111: {  	[tilespmem:s30+$0x20] =	vst v0;
	v0 =	vld [tilespmem:s30+$0x30]  }
0x112: {  	[tilespmem:s30+$0xFFFFFF20] =	vst v1;
	v1 =	vld [tilespmem:s25+$0xFFFFFF40];
	v3 =	vadd.f32 v5, v3  }
0x113: {  	v5 =	vld [tilespmem:s25+$0xFFFFFE40]  }
0x114: {  	[tilespmem:s30+$0xB0] =	vst v3;
	v3 =	vld [tilespmem:s30+$0xC0]  }
0x115: {  	v2 =	vadd.f32 v4, v2;
	v4 =	vld [tilespmem:s25+$0xFFFFFFD0]  }
0x116: {  	v6 =	vld [tilespmem:s30+$0xFFFFFF40]  }
0x117: {  	[tilespmem:s30+$0xFFFFFFB0] =	vst v2;
	v2 =	vld [tilespmem:s30+$0xFFFFFFC0];
	v0 =	vadd.f32 v1, v0  }
0x118: {  	v1 =	vadd.f32 v5, v7;
	v5 =	vld [tilespmem:s25+$0xFFFFFED0]  }
0x119: {  	[tilespmem:s30+$0x30] =	vst v0;
	v0 =	vld [tilespmem:s30+$0x40]  }
0x11a: {  	[tilespmem:s30+$0xFFFFFF30] =	vst v1;
	v1 =	vld [tilespmem:s25+$0xFFFFFF50];
	v3 =	vadd.f32 v4, v3  }
0x11b: {  	v4 =	vld [tilespmem:s25+$0xFFFFFE50]  }
0x11c: {  	[tilespmem:s30+$0xC0] =	vst v3;
	v3 =	vld [tilespmem:s30+$0xD0]  }
0x11d: {  	v2 =	vadd.f32 v5, v2;
	v5 =	vld [tilespmem:s25+$0xFFFFFFE0]  }
0x11e: {  	v7 =	vld [tilespmem:s30+$0xFFFFFF50]  }
0x11f: {  	[tilespmem:s30+$0xFFFFFFC0] =	vst v2;
	v2 =	vld [tilespmem:s30+$0xFFFFFFD0];
	v0 =	vadd.f32 v1, v0  }
0x120: {  	v1 =	vadd.f32 v4, v6;
	v4 =	vld [tilespmem:s25+$0xFFFFFEE0]  }
0x121: {  	[tilespmem:s30+$0x40] =	vst v0;
	v0 =	vld [tilespmem:s30+$0x50]  }
0x122: {  	[tilespmem:s30+$0xFFFFFF40] =	vst v1;
	v1 =	vld [tilespmem:s25+$0xFFFFFF60];
	v3 =	vadd.f32 v5, v3  }
0x123: {  	v5 =	vld [tilespmem:s25+$0xFFFFFE60]  }
0x124: {  	[tilespmem:s30+$0xD0] =	vst v3;
	v3 =	vld [tilespmem:s30+$0xE0]  }
0x125: {  	v2 =	vadd.f32 v4, v2;
	v4 =	vld [tilespmem:s25+$0xFFFFFFF0]  }
0x126: {  	v6 =	vld [tilespmem:s30+$0xFFFFFF60]  }
0x127: {  	[tilespmem:s30+$0xFFFFFFD0] =	vst v2;
	v2 =	vld [tilespmem:s30+$0xFFFFFFE0];
	v0 =	vadd.f32 v1, v0  }
0x128: {  	v1 =	vadd.f32 v5, v7;
	v5 =	vld [tilespmem:s25+$0xFFFFFEF0]  }
0x129: {  	[tilespmem:s30+$0x50] =	vst v0;
	v7 =	vld [tilespmem:s30+$0x60]  }
0x12a: {  	[tilespmem:s30+$0xFFFFFF50] =	vst v1;
	v8 =	vld [tilespmem:s25+$0xFFFFFF70];
	v0 =	vadd.f32 v4, v3  }
0x12b: {  	v3 =	vld [tilespmem:s25+$0xFFFFFE70]  }
0x12c: {  	[tilespmem:s30+$0xE0] =	vst v0;
	v9 =	vld [tilespmem:s30+$0xF0]  }
0x12d: {  	v1 =	vadd.f32 v5, v2;
	v5 =	vld [tilespmem:s25+$0x0]  }
0x12e: {  	v0 =	vld [tilespmem:s30+$0xFFFFFF70]  }
.Ltmp3:
0x12f: {  	[tilespmem:s30+$0xFFFFFFE0] =	vst v1;
	v1 =	vld [tilespmem:s30+$0xFFFFFFF0];
	v2 =	vadd.f32 v8, v7;
	(pc) =	sbr.rel @p1 .LBB2_5-.Ltmp3, $4  }
0x130: {  	v4 =	vadd.f32 v3, v6;
	v3 =	vld [tilespmem:s25+$0xFFFFFF00]  }
0x131: {  	[tilespmem:s30+$0x60] =	vst v2;
	v2 =	vld [tilespmem:s30+$0x70]  }
0x132: {  	[tilespmem:s30+$0xFFFFFF60] =	vst v4;
	v4 =	vld [tilespmem:s25+$0xFFFFFF80];
	v6 =	vadd.f32 v5, v9  }
0x133: {  	s30 =	sadd.s32 $0x200, s30;
	v5 =	vld [tilespmem:s25+$0xFFFFFE80]  }
0x134: {  	_ =	sdelay $0x1  }
0x135: {  	v1 =	vadd.f32 v3, v1  }
.Ltmp4:
0x136: {  	[tilespmem:s26+$0xF0] =	vst v6;
	v2 =	vadd.f32 v4, v2;
	(pc) =	sbr.rel @p0 .LBB2_8-.Ltmp4, $4  }
0x137: {  	s25 =	sadd.s32 s7, s28;
	[tilespmem:s26+$0xFFFFFFF0] =	vst v1;
	v0 =	vadd.f32 v5, v0  }
0x138: {  	s25 =	sshll.u32 s25, $0x4;
	[tilespmem:s26+$0x70] =	vst v2  }
0x139: {  	s25 =	sadd.s32 s3, s25;
	[tilespmem:s26+$0xFFFFFF70] =	vst v0  }
0x13a: {  	[hbm4b:s25+s4] =	stream.linear.scatter [tilespmem:s11], [sflag:$0x4], $0x4000, $0x38;
	[tilespmem:$0x14000] =	vst v63  }
.Ltmp5:
0x13b: {  	_ =	swait.ge [sflag:s16], $0x4000;
	(pc) =	sbr.rel .LBB2_2-.Ltmp5, $4  }
0x13c: {  	s24 =	sand.u32 $0x3FFFFF00, s24;
	s23 =	sadd.s32 $0x1, s23;
	s19 =	sadd.s32 $0x8000, s19  }
0x13d: {  	s22 =	sadd.s32 $0x100, s22;
	s20 =	sadd.s32 $0x8000, s20;
	[sflag:s16] =	ssyncset.done $0x0  }
0x13e: {  	s21 =	sadd.s32 $0x100, s21;
	s24 =	sadd.s32 $0x180, s24;
	[sflag:s16] =	ssyncadd.s32 $0xFFFFC000  }
0x13f: {  	[tilespmem:s11], [sflag:$0x2] =	stream.indirect.gather [hbm4b:s1+s17], $0x80, s24, s17, $0xb8;
	[tilespmem:$0x14000] =	vst v63  }
.LBB2_9:
0x140: {  	_ =	sfence.sel $0x180000  }
0x141: {  	[bflag:$0x0] =	sbarrier.arrive $0xFFFF  }
0x142: {  	p0 =	sne.s32 s0, $0x0;
	_ =	strace $0x90000047  }
0x143: {  	s0 =	sadd.s32 @!p0 $0x100000, s2;
	[bflag:$0x2] =	sbarrier.arrive $0xFFFF  }
0x144: {  	[sflag:s0] =	ssyncadd.tile.s32 @!p0 $0x1;
	_ =	shalt  }
.Lfunc_end2:
_tile_overlayer_lowered:
.L_overlay_start_2:
0x145: {  	(tag) =	ssettag $0x2  }
0x146: {  	s0 =	rddreg [dreg:$0x0];
	s2 =	stileid.u32  }
0x147: {  	s1 =	rddreg [dreg:$0x1];
	p0 =	sne.s32 s2, $0x0  }
0x148: {  	s3 =	rddreg [dreg:$0x2];
	[bflag:$0x3] =	sbarrier.arrive $0xFFFF;
	s2 =	simm.s32 @!p0 $0x1C05  }
0x149: {  	[timem:s3], [sflag:s2] =	dma.local @!p0 [hbm:s0], s1  }
0x14a: {  	s0 =	simm.s32 @!p0 $0x5  }
0x14b: {  	_ =	swait.ge @!p0 [sflag:s0], s1  }
0x14c: {  	s1 =	ssub.s32 @!p0 $0x0, s1;
	[sflag:s0] =	ssyncset.done @!p0 $0x0  }
0x14d: {  	[sflag:s0] =	ssyncadd.s32 @!p0 s1  }
0x14e: {  	[bflag:$0x3] =	sbarrier.arrive $0xFFFF  }
0x14f: {  	_ =	shalt  }

</sc_bundles>
